<compile_context>
chip_gen: v7x
topology: tpu7x:2x2x1
jax: 0.10.2.dev20260603
libtpu: 0.0.44.dev20260713+nightly
codegen_flags: <defaults>
</compile_context>

<pallas_src>
import functools

import jax
import jax.numpy as jnp
import numpy as np
from jax import lax
from jax.experimental import pallas as pl
from jax.experimental.pallas import tpu as pltpu
from jax.experimental.pallas import tpu_sc as plsc

_NUM_PATCHES = 576
_NUM_MASK = 432
_NUM_KEEP = _NUM_PATCHES - _NUM_MASK
_B = 256
_D = 768

_MASK_NP = np.array([
    183, 260, 353, 270, 473, 344, 138, 485, 444, 257, 166, 19, 76, 419, 158,
    465, 567, 509, 219, 476, 118, 143, 54, 364, 547, 490, 237, 189, 269, 437,
    533, 227, 149, 564, 548, 320, 90, 351, 30, 472, 7, 303, 418, 96, 139, 155,
    131, 121, 115, 470, 319, 530, 6, 439, 35, 339, 312, 256, 292, 294, 23, 58,
    350, 228, 338, 463, 467, 557, 376, 424, 128, 313, 392, 230, 16, 21, 394,
    484, 194, 406, 318, 213, 377, 340, 304, 156, 398, 523, 220, 77, 408, 417,
    322, 325, 480, 154, 160, 94, 116, 61, 229, 38, 3, 185, 105, 271, 132, 81,
    264, 471, 283, 26, 32, 403, 432, 412, 64, 37, 273, 56, 378, 321, 51, 286,
    347, 535, 2, 193, 122, 248, 63, 440, 385, 455, 133, 335, 330, 306, 52, 20,
    316, 477, 356, 317, 431, 489, 89, 202, 562, 447, 95, 429, 44, 389, 372,
    556, 47, 123, 391, 295, 370, 239, 504, 79, 84, 222, 144, 157, 518, 135,
    299, 50, 563, 345, 483, 395, 531, 551, 242, 140, 450, 508, 382, 371, 78,
    179, 524, 72, 384, 532, 163, 517, 191, 323, 539, 83, 387, 42, 442, 402,
    62, 327, 459, 254, 362, 420, 152, 381, 522, 494, 263, 309, 305, 515, 69,
    324, 235, 390, 53, 247, 234, 245, 366, 223, 148, 554, 315, 172, 358, 574,
    215, 0, 301, 201, 226, 501, 409, 145, 8, 400, 208, 495, 479, 203, 167,
    169, 575, 159, 251, 341, 109, 521, 314, 367, 181, 285, 22, 178, 13, 29,
    298, 99, 451, 110, 405, 244, 538, 34, 70, 430, 175, 359, 572, 279, 18,
    103, 415, 196, 141, 252, 482, 436, 333, 421, 232, 293, 86, 291, 142, 337,
    75, 326, 233, 481, 284, 544, 198, 426, 187, 290, 560, 464, 206, 91, 243,
    111, 404, 275, 24, 423, 373, 113, 1, 267, 65, 368, 48, 411, 288, 5, 520,
    266, 238, 45, 401, 516, 199, 165, 458, 361, 150, 502, 49, 511, 173, 214,
    375, 540, 259, 561, 457, 282, 383, 236, 543, 33, 216, 74, 474, 55, 182,
    136, 60, 365, 204, 541, 552, 119, 307, 57, 512, 311, 296, 445, 124, 526,
    27, 112, 486, 507, 343, 129, 505, 249, 546, 209, 566, 397, 513, 151, 355,
    427, 10, 134, 192, 571, 246, 186, 527, 93, 388, 176, 449, 553, 331, 161,
    68, 146, 240, 15, 487, 336, 217, 545, 380, 73, 241, 40, 265, 565, 492,
    210, 297, 67, 514, 88, 280, 452, 573, 425, 102, 107, 448, 453, 300, 66,
    80, 100, 276, 308, 349, 466], dtype=np.int32)
_KEEP_NP = np.array([
    4, 9, 11, 12, 14, 17, 25, 28, 31, 36, 39, 41, 43, 46, 59, 71, 82, 85, 87,
    92, 97, 98, 101, 104, 106, 108, 114, 117, 120, 125, 126, 127, 130, 137,
    147, 153, 162, 164, 168, 170, 171, 174, 177, 180, 184, 188, 190, 195, 197,
    200, 205, 207, 211, 212, 218, 221, 224, 225, 231, 250, 253, 255, 258, 261,
    262, 268, 272, 274, 277, 278, 281, 287, 289, 302, 310, 328, 329, 332, 334,
    342, 346, 348, 352, 354, 357, 360, 363, 369, 374, 379, 386, 393, 396, 399,
    407, 410, 413, 414, 416, 422, 428, 433, 434, 435, 438, 441, 443, 446, 454,
    456, 460, 461, 462, 468, 469, 475, 478, 488, 491, 493, 496, 497, 498, 499,
    500, 503, 506, 510, 519, 525, 528, 529, 534, 536, 537, 542, 549, 550, 555,
    558, 559, 568, 569, 570], dtype=np.int32)

_NW = 32
_CH = 72
_RPW = (_B * _NUM_KEEP) // _NW
_NCH = _RPW // _CH
_NBUF = 2
_GIDX_FLAT = (np.arange(_B, dtype=np.int32)[:, None] * _NUM_PATCHES
              + _KEEP_NP[None, :]).reshape(-1, _CH)
_CHUNK_OF = (np.arange(_NW)[:, None] + _NW * np.arange(_NCH)[None, :])
_GIDX_NP = _GIDX_FLAT[_CHUNK_OF]

_mesh = plsc.VectorSubcoreMesh(core_axis_name="c", subcore_axis_name="s")


@functools.partial(
    pl.kernel,
    mesh=_mesh,
    out_type=jax.ShapeDtypeStruct((_B * _NUM_KEEP, _D), jnp.float32),
    scratch_types=(
        [pltpu.VMEM((_NCH, _CH), jnp.int32),
         pltpu.VMEM((_NBUF, _CH, _D), jnp.float32)]
        + [pltpu.SemaphoreType.DMA] * (2 * _NBUF)
    ),
)
def _gather_rows(src_hbm, gidx_hbm, out_hbm, idx_v, rows_v, *sems):
    gsem, ssem = sems[:_NBUF], sems[_NBUF:]
    wid = lax.axis_index("s") * 2 + lax.axis_index("c")
    pltpu.sync_copy(gidx_hbm.at[wid], idx_v)
    gather = [None] * _NBUF
    store = [None] * _NBUF
    for c in range(_NBUF - 1):
        gather[c] = pltpu.async_copy(
            src_hbm.at[pl.ds((wid * _NCH + c) * _CH, _CH)], rows_v.at[c],
            gsem[c])
    for c in range(_NCH):
        b = c % _NBUF
        if c + _NBUF - 1 < _NCH:
            nb = (c + _NBUF - 1) % _NBUF
            gather[nb] = pltpu.async_copy(
                src_hbm.at[pl.ds((wid * _NCH + c + _NBUF - 1) * _CH, _CH)],
                rows_v.at[nb], gsem[nb])
        gather[b].wait()
    store[0] = pltpu.async_copy(
        rows_v.at[0], out_hbm.at[pl.ds(wid * _CH, _CH)], ssem[0])
    store[0].wait()


def _tc_body(idx_ref, in_ref, out_ref):
    out_ref[...] = in_ref[...]


_tc_gather = pl.pallas_call(
    _tc_body,
    grid_spec=pltpu.PrefetchScalarGridSpec(
        num_scalar_prefetch=1,
        grid=(_NUM_KEEP,),
        in_specs=[pl.BlockSpec((_B, 1, 1, _D),
                               lambda j, idx: (0, idx[j], 0, 0))],
        out_specs=pl.BlockSpec((_B, 1, 1, _D), lambda j, idx: (0, j, 0, 0)),
    ),
    out_shape=jax.ShapeDtypeStruct((_B, _NUM_KEEP, 1, _D), jnp.float32),
)


def kernel(patches):
    src = patches.reshape(_B * _NUM_PATCHES, _D)
    out_flat = _gather_rows(src, jnp.asarray(_GIDX_NP))
    return (out_flat.reshape(_B, _NUM_KEEP, _D),
            jnp.asarray(_MASK_NP), jnp.asarray(_KEEP_NP))

# --- scband reference (transcript-rebuilt; emitter-appended) ---
"""Pipeline reference for scband-crandom-sampling-81664508166962 (READ-ONLY COPY).

The authoritative reference and input builder live on the scoring server;
editing this copy changes nothing except your own understanding.
"""

import jax, jax.numpy as jnp
import numpy as np

NUM_PATCHES = 576
MASK_RATIO = 0.75
NUM_MASK = int(MASK_RATIO * NUM_PATCHES)


def setup_inputs(seed: int = 0) -> dict:
    key = jax.random.key(seed)
    patches = jax.random.normal(key, (256, NUM_PATCHES, 768), dtype=jnp.float32)
    return {"patches": patches}


def reference(patches):
    # np.random.choice(num_patches, size=num_mask, replace=False) -> random
    # subset; np.delete on arange gives the sorted complement. We replicate
    # deterministically with a fixed key via a permutation.
    perm = jax.random.permutation(jax.random.key(1), NUM_PATCHES)
    mask_indices = perm[:NUM_MASK]
    un_masked_indices = jnp.sort(perm[NUM_MASK:])  # np.delete keeps ascending order
    unmasked_patches = jnp.take(patches, un_masked_indices, axis=1)
    return (unmasked_patches, mask_indices, un_masked_indices)

if __name__ == "__main__":
    import jax
    _d = setup_inputs()
    print(jax.jit(kernel)(*tuple(_d.values())))

</pallas_src>

<mosaic_0001>
#map = affine_map<(d0, d1) -> (0, 0)>
#map1 = affine_map<(d0, d1) -> (0, 0, 0)>
module attributes {stable_mosaic.version = 14 : i64} {
  func.func @_gather_rows(%arg0: i32, %arg1: i32, %arg2: memref<147456x768xf32, #tpu.memory_space<hbm>>, %arg3: memref<32x16x72xi32, #tpu.memory_space<hbm>>, %arg4: memref<36864x768xf32, #tpu.memory_space<hbm>>, %arg5: memref<16x72xi32, #tpu.memory_space<vmem>>, %arg6: memref<2x72x768xf32, #tpu.memory_space<vmem>>, %arg7: memref<!tpu.dma_semaphore, #tpu.memory_space<semaphore_mem>>, %arg8: memref<!tpu.dma_semaphore, #tpu.memory_space<semaphore_mem>>, %arg9: memref<!tpu.dma_semaphore, #tpu.memory_space<semaphore_mem>>, %arg10: memref<!tpu.dma_semaphore, #tpu.memory_space<semaphore_mem>>) attributes {dimension_semantics = [#tpu.dimension_semantics<core_parallel>, #tpu.dimension_semantics<subcore_parallel>], iteration_bounds = array<i64: 2, 16>, scalar_prefetch = 0 : i64, scratch_operands = 6 : i64, tpu.core_type = #tpu.core_type<sc_vector_subcore>, window_params = [{transform_indices = #map}, {transform_indices = #map1}, {transform_indices = #map}]} {
    %mul3A = arith.constant 2 : i32
    %mul3A_0 = arith.muli %arg1, %mul3A : i32
    %add3A = arith.addi %mul3A_0, %arg0 : i32
    "tpu.region"() ({
      %run_scoped3A = tpu.sem_alloc : memref<!tpu.dma_semaphore, #tpu.memory_space<semaphore_mem>>
      %dma_start3A_598 = arith.constant 0 : i32
      %dma_start3A_599 = arith.constant 0 : i32
      %dma_start3A_600 = tpu.memref_slice %arg3[%add3A, %dma_start3A_598, %dma_start3A_599] : memref<32x16x72xi32, #tpu.memory_space<hbm>> -> memref<1x16x72xi32, #tpu.memory_space<hbm>>
      %dma_start3A_601 = tpu.memref_squeeze %dma_start3A_600 : memref<1x16x72xi32, #tpu.memory_space<hbm>> -> memref<16x72xi32, #tpu.memory_space<hbm>>
      %dma_start3A_602 = arith.constant 0 : i32
      %dma_start3A_603 = arith.constant 0 : i32
      %dma_start3A_604 = tpu.memref_slice %arg3[%add3A, %dma_start3A_602, %dma_start3A_603] : memref<32x16x72xi32, #tpu.memory_space<hbm>> -> memref<1x16x72xi32, #tpu.memory_space<hbm>>
      %dma_start3A_605 = tpu.memref_squeeze %dma_start3A_604 : memref<1x16x72xi32, #tpu.memory_space<hbm>> -> memref<16x72xi32, #tpu.memory_space<hbm>>
      tpu.enqueue_dma source(%dma_start3A_605 : memref<16x72xi32, #tpu.memory_space<hbm>>) target(%arg5 : memref<16x72xi32, #tpu.memory_space<vmem>>) target_semaphore(%run_scoped3A : memref<!tpu.dma_semaphore, #tpu.memory_space<semaphore_mem>>)
      %dma_wait3A_606 = arith.constant 0 : i32
      %dma_wait3A_607 = arith.constant 0 : i32
      %dma_wait3A_608 = tpu.memref_slice %arg3[%add3A, %dma_wait3A_606, %dma_wait3A_607] : memref<32x16x72xi32, #tpu.memory_space<hbm>> -> memref<1x16x72xi32, #tpu.memory_space<hbm>>
      %dma_wait3A_609 = tpu.memref_squeeze %dma_wait3A_608 : memref<1x16x72xi32, #tpu.memory_space<hbm>> -> memref<16x72xi32, #tpu.memory_space<hbm>>
      %dma_wait3A_610 = arith.constant 0 : i32
      %dma_wait3A_611 = arith.constant 0 : i32
      %dma_wait3A_612 = tpu.memref_slice %arg3[%add3A, %dma_wait3A_610, %dma_wait3A_611] : memref<32x16x72xi32, #tpu.memory_space<hbm>> -> memref<1x16x72xi32, #tpu.memory_space<hbm>>
      %dma_wait3A_613 = tpu.memref_squeeze %dma_wait3A_612 : memref<1x16x72xi32, #tpu.memory_space<hbm>> -> memref<16x72xi32, #tpu.memory_space<hbm>>
      tpu.wait_dma2 semaphore(%run_scoped3A : memref<!tpu.dma_semaphore, #tpu.memory_space<semaphore_mem>>) src(%dma_wait3A_613 : memref<16x72xi32, #tpu.memory_space<hbm>>) dst(%arg5 : memref<16x72xi32, #tpu.memory_space<vmem>>)
      tpu.yield
    }) : () -> ()
    %mul3A_1 = arith.constant 16 : i32
    %mul3A_2 = arith.muli %add3A, %mul3A_1 : i32
    %add3A_3 = arith.constant 0 : i32
    %add3A_4 = arith.addi %mul3A_2, %add3A_3 : i32
    %mul3A_5 = arith.constant 72 : i32
    %mul3A_6 = arith.muli %add3A_4, %mul3A_5 : i32
    %dma_start3A = arith.constant 0 : i32
    %dma_start3A_7 = arith.constant 0 : i32
    %dma_start3A_8 = arith.constant 0 : i32
    %dma_start3A_9 = tpu.memref_slice %arg6[%dma_start3A, %dma_start3A_7, %dma_start3A_8] : memref<2x72x768xf32, #tpu.memory_space<vmem>> -> memref<1x72x768xf32, #tpu.memory_space<vmem>>
    %dma_start3A_10 = tpu.memref_squeeze %dma_start3A_9 : memref<1x72x768xf32, #tpu.memory_space<vmem>> -> memref<72x768xf32, #tpu.memory_space<vmem>>
    %dma_start3A_11 = arith.constant 0 : i32
    %dma_start3A_12 = tpu.memref_slice %arg2[%mul3A_6, %dma_start3A_11] : memref<147456x768xf32, #tpu.memory_space<hbm>> -> memref<72x768xf32, #tpu.memory_space<hbm>>
    %dma_start3A_13 = arith.constant 0 : i32
    %dma_start3A_14 = arith.constant 0 : i32
    %dma_start3A_15 = tpu.memref_slice %arg6[%dma_start3A, %dma_start3A_13, %dma_start3A_14] : memref<2x72x768xf32, #tpu.memory_space<vmem>> -> memref<1x72x768xf32, #tpu.memory_space<vmem>>
    %dma_start3A_16 = tpu.memref_squeeze %dma_start3A_15 : memref<1x72x768xf32, #tpu.memory_space<vmem>> -> memref<72x768xf32, #tpu.memory_space<vmem>>
    %dma_start3A_17 = arith.constant 0 : i32
    %dma_start3A_18 = tpu.memref_slice %arg2[%mul3A_6, %dma_start3A_17] : memref<147456x768xf32, #tpu.memory_space<hbm>> -> memref<72x768xf32, #tpu.memory_space<hbm>>
    tpu.enqueue_dma source(%dma_start3A_18 : memref<72x768xf32, #tpu.memory_space<hbm>>) target(%dma_start3A_16 : memref<72x768xf32, #tpu.memory_space<vmem>>) target_semaphore(%arg7 : memref<!tpu.dma_semaphore, #tpu.memory_space<semaphore_mem>>)
    %mul3A_19 = arith.constant 16 : i32
    %mul3A_20 = arith.muli %add3A, %mul3A_19 : i32
    %add3A_21 = arith.constant 0 : i32
    %add3A_22 = arith.addi %mul3A_20, %add3A_21 : i32
    %add3A_23 = arith.constant 2 : i32
    %add3A_24 = arith.addi %add3A_22, %add3A_23 : i32
    %sub3A = arith.constant 1 : i32
    %sub3A_25 = arith.subi %add3A_24, %sub3A : i32
    %mul3A_26 = arith.constant 72 : i32
    %mul3A_27 = arith.muli %sub3A_25, %mul3A_26 : i32
    %dma_start3A_28 = arith.constant 1 : i32
    %dma_start3A_29 = arith.constant 0 : i32
    %dma_start3A_30 = arith.constant 0 : i32
    %dma_start3A_31 = tpu.memref_slice %arg6[%dma_start3A_28, %dma_start3A_29, %dma_start3A_30] : memref<2x72x768xf32, #tpu.memory_space<vmem>> -> memref<1x72x768xf32, #tpu.memory_space<vmem>>
    %dma_start3A_32 = tpu.memref_squeeze %dma_start3A_31 : memref<1x72x768xf32, #tpu.memory_space<vmem>> -> memref<72x768xf32, #tpu.memory_space<vmem>>
    %dma_start3A_33 = arith.constant 0 : i32
    %dma_start3A_34 = tpu.memref_slice %arg2[%mul3A_27, %dma_start3A_33] : memref<147456x768xf32, #tpu.memory_space<hbm>> -> memref<72x768xf32, #tpu.memory_space<hbm>>
    %dma_start3A_35 = arith.constant 0 : i32
    %dma_start3A_36 = arith.constant 0 : i32
    %dma_start3A_37 = tpu.memref_slice %arg6[%dma_start3A_28, %dma_start3A_35, %dma_start3A_36] : memref<2x72x768xf32, #tpu.memory_space<vmem>> -> memref<1x72x768xf32, #tpu.memory_space<vmem>>
    %dma_start3A_38 = tpu.memref_squeeze %dma_start3A_37 : memref<1x72x768xf32, #tpu.memory_space<vmem>> -> memref<72x768xf32, #tpu.memory_space<vmem>>
    %dma_start3A_39 = arith.constant 0 : i32
    %dma_start3A_40 = tpu.memref_slice %arg2[%mul3A_27, %dma_start3A_39] : memref<147456x768xf32, #tpu.memory_space<hbm>> -> memref<72x768xf32, #tpu.memory_space<hbm>>
    tpu.enqueue_dma source(%dma_start3A_40 : memref<72x768xf32, #tpu.memory_space<hbm>>) target(%dma_start3A_38 : memref<72x768xf32, #tpu.memory_space<vmem>>) target_semaphore(%arg8 : memref<!tpu.dma_semaphore, #tpu.memory_space<semaphore_mem>>)
    %dma_wait3A = arith.constant 0 : i32
    %dma_wait3A_41 = arith.constant 0 : i32
    %dma_wait3A_42 = arith.constant 0 : i32
    %dma_wait3A_43 = tpu.memref_slice %arg6[%dma_wait3A, %dma_wait3A_41, %dma_wait3A_42] : memref<2x72x768xf32, #tpu.memory_space<vmem>> -> memref<1x72x768xf32, #tpu.memory_space<vmem>>
    %dma_wait3A_44 = tpu.memref_squeeze %dma_wait3A_43 : memref<1x72x768xf32, #tpu.memory_space<vmem>> -> memref<72x768xf32, #tpu.memory_space<vmem>>
    %dma_wait3A_45 = arith.constant 0 : i32
    %dma_wait3A_46 = tpu.memref_slice %arg2[%mul3A_6, %dma_wait3A_45] : memref<147456x768xf32, #tpu.memory_space<hbm>> -> memref<72x768xf32, #tpu.memory_space<hbm>>
    %dma_wait3A_47 = arith.constant 0 : i32
    %dma_wait3A_48 = arith.constant 0 : i32
    %dma_wait3A_49 = tpu.memref_slice %arg6[%dma_wait3A, %dma_wait3A_47, %dma_wait3A_48] : memref<2x72x768xf32, #tpu.memory_space<vmem>> -> memref<1x72x768xf32, #tpu.memory_space<vmem>>
    %dma_wait3A_50 = tpu.memref_squeeze %dma_wait3A_49 : memref<1x72x768xf32, #tpu.memory_space<vmem>> -> memref<72x768xf32, #tpu.memory_space<vmem>>
    %dma_wait3A_51 = arith.constant 0 : i32
    %dma_wait3A_52 = tpu.memref_slice %arg2[%mul3A_6, %dma_wait3A_51] : memref<147456x768xf32, #tpu.memory_space<hbm>> -> memref<72x768xf32, #tpu.memory_space<hbm>>
    tpu.wait_dma2 semaphore(%arg7 : memref<!tpu.dma_semaphore, #tpu.memory_space<semaphore_mem>>) src(%dma_wait3A_52 : memref<72x768xf32, #tpu.memory_space<hbm>>) dst(%dma_wait3A_50 : memref<72x768xf32, #tpu.memory_space<vmem>>)
    %mul3A_53 = arith.constant 16 : i32
    %mul3A_54 = arith.muli %add3A, %mul3A_53 : i32
    %add3A_55 = arith.constant 1 : i32
    %add3A_56 = arith.addi %mul3A_54, %add3A_55 : i32
    %add3A_57 = arith.constant 2 : i32
    %add3A_58 = arith.addi %add3A_56, %add3A_57 : i32
    %sub3A_59 = arith.constant 1 : i32
    %sub3A_60 = arith.subi %add3A_58, %sub3A_59 : i32
    %mul3A_61 = arith.constant 72 : i32
    %mul3A_62 = arith.muli %sub3A_60, %mul3A_61 : i32
    %dma_start3A_63 = arith.constant 0 : i32
    %dma_start3A_64 = arith.constant 0 : i32
    %dma_start3A_65 = arith.constant 0 : i32
    %dma_start3A_66 = tpu.memref_slice %arg6[%dma_start3A_63, %dma_start3A_64, %dma_start3A_65] : memref<2x72x768xf32, #tpu.memory_space<vmem>> -> memref<1x72x768xf32, #tpu.memory_space<vmem>>
    %dma_start3A_67 = tpu.memref_squeeze %dma_start3A_66 : memref<1x72x768xf32, #tpu.memory_space<vmem>> -> memref<72x768xf32, #tpu.memory_space<vmem>>
    %dma_start3A_68 = arith.constant 0 : i32
    %dma_start3A_69 = tpu.memref_slice %arg2[%mul3A_62, %dma_start3A_68] : memref<147456x768xf32, #tpu.memory_space<hbm>> -> memref<72x768xf32, #tpu.memory_space<hbm>>
    %dma_start3A_70 = arith.constant 0 : i32
    %dma_start3A_71 = arith.constant 0 : i32
    %dma_start3A_72 = tpu.memref_slice %arg6[%dma_start3A_63, %dma_start3A_70, %dma_start3A_71] : memref<2x72x768xf32, #tpu.memory_space<vmem>> -> memref<1x72x768xf32, #tpu.memory_space<vmem>>
    %dma_start3A_73 = tpu.memref_squeeze %dma_start3A_72 : memref<1x72x768xf32, #tpu.memory_space<vmem>> -> memref<72x768xf32, #tpu.memory_space<vmem>>
    %dma_start3A_74 = arith.constant 0 : i32
    %dma_start3A_75 = tpu.memref_slice %arg2[%mul3A_62, %dma_start3A_74] : memref<147456x768xf32, #tpu.memory_space<hbm>> -> memref<72x768xf32, #tpu.memory_space<hbm>>
    tpu.enqueue_dma source(%dma_start3A_75 : memref<72x768xf32, #tpu.memory_space<hbm>>) target(%dma_start3A_73 : memref<72x768xf32, #tpu.memory_space<vmem>>) target_semaphore(%arg7 : memref<!tpu.dma_semaphore, #tpu.memory_space<semaphore_mem>>)
    %dma_wait3A_76 = arith.constant 1 : i32
    %dma_wait3A_77 = arith.constant 0 : i32
    %dma_wait3A_78 = arith.constant 0 : i32
    %dma_wait3A_79 = tpu.memref_slice %arg6[%dma_wait3A_76, %dma_wait3A_77, %dma_wait3A_78] : memref<2x72x768xf32, #tpu.memory_space<vmem>> -> memref<1x72x768xf32, #tpu.memory_space<vmem>>
    %dma_wait3A_80 = tpu.memref_squeeze %dma_wait3A_79 : memref<1x72x768xf32, #tpu.memory_space<vmem>> -> memref<72x768xf32, #tpu.memory_space<vmem>>
    %dma_wait3A_81 = arith.constant 0 : i32
    %dma_wait3A_82 = tpu.memref_slice %arg2[%mul3A_27, %dma_wait3A_81] : memref<147456x768xf32, #tpu.memory_space<hbm>> -> memref<72x768xf32, #tpu.memory_space<hbm>>
    %dma_wait3A_83 = arith.constant 0 : i32
    %dma_wait3A_84 = arith.constant 0 : i32
    %dma_wait3A_85 = tpu.memref_slice %arg6[%dma_wait3A_76, %dma_wait3A_83, %dma_wait3A_84] : memref<2x72x768xf32, #tpu.memory_space<vmem>> -> memref<1x72x768xf32, #tpu.memory_space<vmem>>
    %dma_wait3A_86 = tpu.memref_squeeze %dma_wait3A_85 : memref<1x72x768xf32, #tpu.memory_space<vmem>> -> memref<72x768xf32, #tpu.memory_space<vmem>>
    %dma_wait3A_87 = arith.constant 0 : i32
    %dma_wait3A_88 = tpu.memref_slice %arg2[%mul3A_27, %dma_wait3A_87] : memref<147456x768xf32, #tpu.memory_space<hbm>> -> memref<72x768xf32, #tpu.memory_space<hbm>>
    tpu.wait_dma2 semaphore(%arg8 : memref<!tpu.dma_semaphore, #tpu.memory_space<semaphore_mem>>) src(%dma_wait3A_88 : memref<72x768xf32, #tpu.memory_space<hbm>>) dst(%dma_wait3A_86 : memref<72x768xf32, #tpu.memory_space<vmem>>)
    %mul3A_89 = arith.constant 16 : i32
    %mul3A_90 = arith.muli %add3A, %mul3A_89 : i32
    %add3A_91 = arith.constant 2 : i32
    %add3A_92 = arith.addi %mul3A_90, %add3A_91 : i32
    %add3A_93 = arith.constant 2 : i32
    %add3A_94 = arith.addi %add3A_92, %add3A_93 : i32
    %sub3A_95 = arith.constant 1 : i32
    %sub3A_96 = arith.subi %add3A_94, %sub3A_95 : i32
    %mul3A_97 = arith.constant 72 : i32
    %mul3A_98 = arith.muli %sub3A_96, %mul3A_97 : i32
    %dma_start3A_99 = arith.constant 1 : i32
    %dma_start3A_100 = arith.constant 0 : i32
    %dma_start3A_101 = arith.constant 0 : i32
    %dma_start3A_102 = tpu.memref_slice %arg6[%dma_start3A_99, %dma_start3A_100, %dma_start3A_101] : memref<2x72x768xf32, #tpu.memory_space<vmem>> -> memref<1x72x768xf32, #tpu.memory_space<vmem>>
    %dma_start3A_103 = tpu.memref_squeeze %dma_start3A_102 : memref<1x72x768xf32, #tpu.memory_space<vmem>> -> memref<72x768xf32, #tpu.memory_space<vmem>>
    %dma_start3A_104 = arith.constant 0 : i32
    %dma_start3A_105 = tpu.memref_slice %arg2[%mul3A_98, %dma_start3A_104] : memref<147456x768xf32, #tpu.memory_space<hbm>> -> memref<72x768xf32, #tpu.memory_space<hbm>>
    %dma_start3A_106 = arith.constant 0 : i32
    %dma_start3A_107 = arith.constant 0 : i32
    %dma_start3A_108 = tpu.memref_slice %arg6[%dma_start3A_99, %dma_start3A_106, %dma_start3A_107] : memref<2x72x768xf32, #tpu.memory_space<vmem>> -> memref<1x72x768xf32, #tpu.memory_space<vmem>>
    %dma_start3A_109 = tpu.memref_squeeze %dma_start3A_108 : memref<1x72x768xf32, #tpu.memory_space<vmem>> -> memref<72x768xf32, #tpu.memory_space<vmem>>
    %dma_start3A_110 = arith.constant 0 : i32
    %dma_start3A_111 = tpu.memref_slice %arg2[%mul3A_98, %dma_start3A_110] : memref<147456x768xf32, #tpu.memory_space<hbm>> -> memref<72x768xf32, #tpu.memory_space<hbm>>
    tpu.enqueue_dma source(%dma_start3A_111 : memref<72x768xf32, #tpu.memory_space<hbm>>) target(%dma_start3A_109 : memref<72x768xf32, #tpu.memory_space<vmem>>) target_semaphore(%arg8 : memref<!tpu.dma_semaphore, #tpu.memory_space<semaphore_mem>>)
    %dma_wait3A_112 = arith.constant 0 : i32
    %dma_wait3A_113 = arith.constant 0 : i32
    %dma_wait3A_114 = arith.constant 0 : i32
    %dma_wait3A_115 = tpu.memref_slice %arg6[%dma_wait3A_112, %dma_wait3A_113, %dma_wait3A_114] : memref<2x72x768xf32, #tpu.memory_space<vmem>> -> memref<1x72x768xf32, #tpu.memory_space<vmem>>
    %dma_wait3A_116 = tpu.memref_squeeze %dma_wait3A_115 : memref<1x72x768xf32, #tpu.memory_space<vmem>> -> memref<72x768xf32, #tpu.memory_space<vmem>>
    %dma_wait3A_117 = arith.constant 0 : i32
    %dma_wait3A_118 = tpu.memref_slice %arg2[%mul3A_62, %dma_wait3A_117] : memref<147456x768xf32, #tpu.memory_space<hbm>> -> memref<72x768xf32, #tpu.memory_space<hbm>>
    %dma_wait3A_119 = arith.constant 0 : i32
    %dma_wait3A_120 = arith.constant 0 : i32
    %dma_wait3A_121 = tpu.memref_slice %arg6[%dma_wait3A_112, %dma_wait3A_119, %dma_wait3A_120] : memref<2x72x768xf32, #tpu.memory_space<vmem>> -> memref<1x72x768xf32, #tpu.memory_space<vmem>>
    %dma_wait3A_122 = tpu.memref_squeeze %dma_wait3A_121 : memref<1x72x768xf32, #tpu.memory_space<vmem>> -> memref<72x768xf32, #tpu.memory_space<vmem>>
    %dma_wait3A_123 = arith.constant 0 : i32
    %dma_wait3A_124 = tpu.memref_slice %arg2[%mul3A_62, %dma_wait3A_123] : memref<147456x768xf32, #tpu.memory_space<hbm>> -> memref<72x768xf32, #tpu.memory_space<hbm>>
    tpu.wait_dma2 semaphore(%arg7 : memref<!tpu.dma_semaphore, #tpu.memory_space<semaphore_mem>>) src(%dma_wait3A_124 : memref<72x768xf32, #tpu.memory_space<hbm>>) dst(%dma_wait3A_122 : memref<72x768xf32, #tpu.memory_space<vmem>>)
    %mul3A_125 = arith.constant 16 : i32
    %mul3A_126 = arith.muli %add3A, %mul3A_125 : i32
    %add3A_127 = arith.constant 3 : i32
    %add3A_128 = arith.addi %mul3A_126, %add3A_127 : i32
    %add3A_129 = arith.constant 2 : i32
    %add3A_130 = arith.addi %add3A_128, %add3A_129 : i32
    %sub3A_131 = arith.constant 1 : i32
    %sub3A_132 = arith.subi %add3A_130, %sub3A_131 : i32
    %mul3A_133 = arith.constant 72 : i32
    %mul3A_134 = arith.muli %sub3A_132, %mul3A_133 : i32
    %dma_start3A_135 = arith.constant 0 : i32
    %dma_start3A_136 = arith.constant 0 : i32
    %dma_start3A_137 = arith.constant 0 : i32
    %dma_start3A_138 = tpu.memref_slice %arg6[%dma_start3A_135, %dma_start3A_136, %dma_start3A_137] : memref<2x72x768xf32, #tpu.memory_space<vmem>> -> memref<1x72x768xf32, #tpu.memory_space<vmem>>
    %dma_start3A_139 = tpu.memref_squeeze %dma_start3A_138 : memref<1x72x768xf32, #tpu.memory_space<vmem>> -> memref<72x768xf32, #tpu.memory_space<vmem>>
    %dma_start3A_140 = arith.constant 0 : i32
    %dma_start3A_141 = tpu.memref_slice %arg2[%mul3A_134, %dma_start3A_140] : memref<147456x768xf32, #tpu.memory_space<hbm>> -> memref<72x768xf32, #tpu.memory_space<hbm>>
    %dma_start3A_142 = arith.constant 0 : i32
    %dma_start3A_143 = arith.constant 0 : i32
    %dma_start3A_144 = tpu.memref_slice %arg6[%dma_start3A_135, %dma_start3A_142, %dma_start3A_143] : memref<2x72x768xf32, #tpu.memory_space<vmem>> -> memref<1x72x768xf32, #tpu.memory_space<vmem>>
    %dma_start3A_145 = tpu.memref_squeeze %dma_start3A_144 : memref<1x72x768xf32, #tpu.memory_space<vmem>> -> memref<72x768xf32, #tpu.memory_space<vmem>>
    %dma_start3A_146 = arith.constant 0 : i32
    %dma_start3A_147 = tpu.memref_slice %arg2[%mul3A_134, %dma_start3A_146] : memref<147456x768xf32, #tpu.memory_space<hbm>> -> memref<72x768xf32, #tpu.memory_space<hbm>>
    tpu.enqueue_dma source(%dma_start3A_147 : memref<72x768xf32, #tpu.memory_space<hbm>>) target(%dma_start3A_145 : memref<72x768xf32, #tpu.memory_space<vmem>>) target_semaphore(%arg7 : memref<!tpu.dma_semaphore, #tpu.memory_space<semaphore_mem>>)
    %dma_wait3A_148 = arith.constant 1 : i32
    %dma_wait3A_149 = arith.constant 0 : i32
    %dma_wait3A_150 = arith.constant 0 : i32
    %dma_wait3A_151 = tpu.memref_slice %arg6[%dma_wait3A_148, %dma_wait3A_149, %dma_wait3A_150] : memref<2x72x768xf32, #tpu.memory_space<vmem>> -> memref<1x72x768xf32, #tpu.memory_space<vmem>>
    %dma_wait3A_152 = tpu.memref_squeeze %dma_wait3A_151 : memref<1x72x768xf32, #tpu.memory_space<vmem>> -> memref<72x768xf32, #tpu.memory_space<vmem>>
    %dma_wait3A_153 = arith.constant 0 : i32
    %dma_wait3A_154 = tpu.memref_slice %arg2[%mul3A_98, %dma_wait3A_153] : memref<147456x768xf32, #tpu.memory_space<hbm>> -> memref<72x768xf32, #tpu.memory_space<hbm>>
    %dma_wait3A_155 = arith.constant 0 : i32
    %dma_wait3A_156 = arith.constant 0 : i32
    %dma_wait3A_157 = tpu.memref_slice %arg6[%dma_wait3A_148, %dma_wait3A_155, %dma_wait3A_156] : memref<2x72x768xf32, #tpu.memory_space<vmem>> -> memref<1x72x768xf32, #tpu.memory_space<vmem>>
    %dma_wait3A_158 = tpu.memref_squeeze %dma_wait3A_157 : memref<1x72x768xf32, #tpu.memory_space<vmem>> -> memref<72x768xf32, #tpu.memory_space<vmem>>
    %dma_wait3A_159 = arith.constant 0 : i32
    %dma_wait3A_160 = tpu.memref_slice %arg2[%mul3A_98, %dma_wait3A_159] : memref<147456x768xf32, #tpu.memory_space<hbm>> -> memref<72x768xf32, #tpu.memory_space<hbm>>
    tpu.wait_dma2 semaphore(%arg8 : memref<!tpu.dma_semaphore, #tpu.memory_space<semaphore_mem>>) src(%dma_wait3A_160 : memref<72x768xf32, #tpu.memory_space<hbm>>) dst(%dma_wait3A_158 : memref<72x768xf32, #tpu.memory_space<vmem>>)
    %mul3A_161 = arith.constant 16 : i32
    %mul3A_162 = arith.muli %add3A, %mul3A_161 : i32
    %add3A_163 = arith.constant 4 : i32
    %add3A_164 = arith.addi %mul3A_162, %add3A_163 : i32
    %add3A_165 = arith.constant 2 : i32
    %add3A_166 = arith.addi %add3A_164, %add3A_165 : i32
    %sub3A_167 = arith.constant 1 : i32
    %sub3A_168 = arith.subi %add3A_166, %sub3A_167 : i32
    %mul3A_169 = arith.constant 72 : i32
    %mul3A_170 = arith.muli %sub3A_168, %mul3A_169 : i32
    %dma_start3A_171 = arith.constant 1 : i32
    %dma_start3A_172 = arith.constant 0 : i32
    %dma_start3A_173 = arith.constant 0 : i32
    %dma_start3A_174 = tpu.memref_slice %arg6[%dma_start3A_171, %dma_start3A_172, %dma_start3A_173] : memref<2x72x768xf32, #tpu.memory_space<vmem>> -> memref<1x72x768xf32, #tpu.memory_space<vmem>>
    %dma_start3A_175 = tpu.memref_squeeze %dma_start3A_174 : memref<1x72x768xf32, #tpu.memory_space<vmem>> -> memref<72x768xf32, #tpu.memory_space<vmem>>
    %dma_start3A_176 = arith.constant 0 : i32
    %dma_start3A_177 = tpu.memref_slice %arg2[%mul3A_170, %dma_start3A_176] : memref<147456x768xf32, #tpu.memory_space<hbm>> -> memref<72x768xf32, #tpu.memory_space<hbm>>
    %dma_start3A_178 = arith.constant 0 : i32
    %dma_start3A_179 = arith.constant 0 : i32
    %dma_start3A_180 = tpu.memref_slice %arg6[%dma_start3A_171, %dma_start3A_178, %dma_start3A_179] : memref<2x72x768xf32, #tpu.memory_space<vmem>> -> memref<1x72x768xf32, #tpu.memory_space<vmem>>
    %dma_start3A_181 = tpu.memref_squeeze %dma_start3A_180 : memref<1x72x768xf32, #tpu.memory_space<vmem>> -> memref<72x768xf32, #tpu.memory_space<vmem>>
    %dma_start3A_182 = arith.constant 0 : i32
    %dma_start3A_183 = tpu.memref_slice %arg2[%mul3A_170, %dma_start3A_182] : memref<147456x768xf32, #tpu.memory_space<hbm>> -> memref<72x768xf32, #tpu.memory_space<hbm>>
    tpu.enqueue_dma source(%dma_start3A_183 : memref<72x768xf32, #tpu.memory_space<hbm>>) target(%dma_start3A_181 : memref<72x768xf32, #tpu.memory_space<vmem>>) target_semaphore(%arg8 : memref<!tpu.dma_semaphore, #tpu.memory_space<semaphore_mem>>)
    %dma_wait3A_184 = arith.constant 0 : i32
    %dma_wait3A_185 = arith.constant 0 : i32
    %dma_wait3A_186 = arith.constant 0 : i32
    %dma_wait3A_187 = tpu.memref_slice %arg6[%dma_wait3A_184, %dma_wait3A_185, %dma_wait3A_186] : memref<2x72x768xf32, #tpu.memory_space<vmem>> -> memref<1x72x768xf32, #tpu.memory_space<vmem>>
    %dma_wait3A_188 = tpu.memref_squeeze %dma_wait3A_187 : memref<1x72x768xf32, #tpu.memory_space<vmem>> -> memref<72x768xf32, #tpu.memory_space<vmem>>
    %dma_wait3A_189 = arith.constant 0 : i32
    %dma_wait3A_190 = tpu.memref_slice %arg2[%mul3A_134, %dma_wait3A_189] : memref<147456x768xf32, #tpu.memory_space<hbm>> -> memref<72x768xf32, #tpu.memory_space<hbm>>
    %dma_wait3A_191 = arith.constant 0 : i32
    %dma_wait3A_192 = arith.constant 0 : i32
    %dma_wait3A_193 = tpu.memref_slice %arg6[%dma_wait3A_184, %dma_wait3A_191, %dma_wait3A_192] : memref<2x72x768xf32, #tpu.memory_space<vmem>> -> memref<1x72x768xf32, #tpu.memory_space<vmem>>
    %dma_wait3A_194 = tpu.memref_squeeze %dma_wait3A_193 : memref<1x72x768xf32, #tpu.memory_space<vmem>> -> memref<72x768xf32, #tpu.memory_space<vmem>>
    %dma_wait3A_195 = arith.constant 0 : i32
    %dma_wait3A_196 = tpu.memref_slice %arg2[%mul3A_134, %dma_wait3A_195] : memref<147456x768xf32, #tpu.memory_space<hbm>> -> memref<72x768xf32, #tpu.memory_space<hbm>>
    tpu.wait_dma2 semaphore(%arg7 : memref<!tpu.dma_semaphore, #tpu.memory_space<semaphore_mem>>) src(%dma_wait3A_196 : memref<72x768xf32, #tpu.memory_space<hbm>>) dst(%dma_wait3A_194 : memref<72x768xf32, #tpu.memory_space<vmem>>)
    %mul3A_197 = arith.constant 16 : i32
    %mul3A_198 = arith.muli %add3A, %mul3A_197 : i32
    %add3A_199 = arith.constant 5 : i32
    %add3A_200 = arith.addi %mul3A_198, %add3A_199 : i32
    %add3A_201 = arith.constant 2 : i32
    %add3A_202 = arith.addi %add3A_200, %add3A_201 : i32
    %sub3A_203 = arith.constant 1 : i32
    %sub3A_204 = arith.subi %add3A_202, %sub3A_203 : i32
    %mul3A_205 = arith.constant 72 : i32
    %mul3A_206 = arith.muli %sub3A_204, %mul3A_205 : i32
    %dma_start3A_207 = arith.constant 0 : i32
    %dma_start3A_208 = arith.constant 0 : i32
    %dma_start3A_209 = arith.constant 0 : i32
    %dma_start3A_210 = tpu.memref_slice %arg6[%dma_start3A_207, %dma_start3A_208, %dma_start3A_209] : memref<2x72x768xf32, #tpu.memory_space<vmem>> -> memref<1x72x768xf32, #tpu.memory_space<vmem>>
    %dma_start3A_211 = tpu.memref_squeeze %dma_start3A_210 : memref<1x72x768xf32, #tpu.memory_space<vmem>> -> memref<72x768xf32, #tpu.memory_space<vmem>>
    %dma_start3A_212 = arith.constant 0 : i32
    %dma_start3A_213 = tpu.memref_slice %arg2[%mul3A_206, %dma_start3A_212] : memref<147456x768xf32, #tpu.memory_space<hbm>> -> memref<72x768xf32, #tpu.memory_space<hbm>>
    %dma_start3A_214 = arith.constant 0 : i32
    %dma_start3A_215 = arith.constant 0 : i32
    %dma_start3A_216 = tpu.memref_slice %arg6[%dma_start3A_207, %dma_start3A_214, %dma_start3A_215] : memref<2x72x768xf32, #tpu.memory_space<vmem>> -> memref<1x72x768xf32, #tpu.memory_space<vmem>>
    %dma_start3A_217 = tpu.memref_squeeze %dma_start3A_216 : memref<1x72x768xf32, #tpu.memory_space<vmem>> -> memref<72x768xf32, #tpu.memory_space<vmem>>
    %dma_start3A_218 = arith.constant 0 : i32
    %dma_start3A_219 = tpu.memref_slice %arg2[%mul3A_206, %dma_start3A_218] : memref<147456x768xf32, #tpu.memory_space<hbm>> -> memref<72x768xf32, #tpu.memory_space<hbm>>
    tpu.enqueue_dma source(%dma_start3A_219 : memref<72x768xf32, #tpu.memory_space<hbm>>) target(%dma_start3A_217 : memref<72x768xf32, #tpu.memory_space<vmem>>) target_semaphore(%arg7 : memref<!tpu.dma_semaphore, #tpu.memory_space<semaphore_mem>>)
    %dma_wait3A_220 = arith.constant 1 : i32
    %dma_wait3A_221 = arith.constant 0 : i32
    %dma_wait3A_222 = arith.constant 0 : i32
    %dma_wait3A_223 = tpu.memref_slice %arg6[%dma_wait3A_220, %dma_wait3A_221, %dma_wait3A_222] : memref<2x72x768xf32, #tpu.memory_space<vmem>> -> memref<1x72x768xf32, #tpu.memory_space<vmem>>
    %dma_wait3A_224 = tpu.memref_squeeze %dma_wait3A_223 : memref<1x72x768xf32, #tpu.memory_space<vmem>> -> memref<72x768xf32, #tpu.memory_space<vmem>>
    %dma_wait3A_225 = arith.constant 0 : i32
    %dma_wait3A_226 = tpu.memref_slice %arg2[%mul3A_170, %dma_wait3A_225] : memref<147456x768xf32, #tpu.memory_space<hbm>> -> memref<72x768xf32, #tpu.memory_space<hbm>>
    %dma_wait3A_227 = arith.constant 0 : i32
    %dma_wait3A_228 = arith.constant 0 : i32
    %dma_wait3A_229 = tpu.memref_slice %arg6[%dma_wait3A_220, %dma_wait3A_227, %dma_wait3A_228] : memref<2x72x768xf32, #tpu.memory_space<vmem>> -> memref<1x72x768xf32, #tpu.memory_space<vmem>>
    %dma_wait3A_230 = tpu.memref_squeeze %dma_wait3A_229 : memref<1x72x768xf32, #tpu.memory_space<vmem>> -> memref<72x768xf32, #tpu.memory_space<vmem>>
    %dma_wait3A_231 = arith.constant 0 : i32
    %dma_wait3A_232 = tpu.memref_slice %arg2[%mul3A_170, %dma_wait3A_231] : memref<147456x768xf32, #tpu.memory_space<hbm>> -> memref<72x768xf32, #tpu.memory_space<hbm>>
    tpu.wait_dma2 semaphore(%arg8 : memref<!tpu.dma_semaphore, #tpu.memory_space<semaphore_mem>>) src(%dma_wait3A_232 : memref<72x768xf32, #tpu.memory_space<hbm>>) dst(%dma_wait3A_230 : memref<72x768xf32, #tpu.memory_space<vmem>>)
    %mul3A_233 = arith.constant 16 : i32
    %mul3A_234 = arith.muli %add3A, %mul3A_233 : i32
    %add3A_235 = arith.constant 6 : i32
    %add3A_236 = arith.addi %mul3A_234, %add3A_235 : i32
    %add3A_237 = arith.constant 2 : i32
    %add3A_238 = arith.addi %add3A_236, %add3A_237 : i32
    %sub3A_239 = arith.constant 1 : i32
    %sub3A_240 = arith.subi %add3A_238, %sub3A_239 : i32
    %mul3A_241 = arith.constant 72 : i32
    %mul3A_242 = arith.muli %sub3A_240, %mul3A_241 : i32
    %dma_start3A_243 = arith.constant 1 : i32
    %dma_start3A_244 = arith.constant 0 : i32
    %dma_start3A_245 = arith.constant 0 : i32
    %dma_start3A_246 = tpu.memref_slice %arg6[%dma_start3A_243, %dma_start3A_244, %dma_start3A_245] : memref<2x72x768xf32, #tpu.memory_space<vmem>> -> memref<1x72x768xf32, #tpu.memory_space<vmem>>
    %dma_start3A_247 = tpu.memref_squeeze %dma_start3A_246 : memref<1x72x768xf32, #tpu.memory_space<vmem>> -> memref<72x768xf32, #tpu.memory_space<vmem>>
    %dma_start3A_248 = arith.constant 0 : i32
    %dma_start3A_249 = tpu.memref_slice %arg2[%mul3A_242, %dma_start3A_248] : memref<147456x768xf32, #tpu.memory_space<hbm>> -> memref<72x768xf32, #tpu.memory_space<hbm>>
    %dma_start3A_250 = arith.constant 0 : i32
    %dma_start3A_251 = arith.constant 0 : i32
    %dma_start3A_252 = tpu.memref_slice %arg6[%dma_start3A_243, %dma_start3A_250, %dma_start3A_251] : memref<2x72x768xf32, #tpu.memory_space<vmem>> -> memref<1x72x768xf32, #tpu.memory_space<vmem>>
    %dma_start3A_253 = tpu.memref_squeeze %dma_start3A_252 : memref<1x72x768xf32, #tpu.memory_space<vmem>> -> memref<72x768xf32, #tpu.memory_space<vmem>>
    %dma_start3A_254 = arith.constant 0 : i32
    %dma_start3A_255 = tpu.memref_slice %arg2[%mul3A_242, %dma_start3A_254] : memref<147456x768xf32, #tpu.memory_space<hbm>> -> memref<72x768xf32, #tpu.memory_space<hbm>>
    tpu.enqueue_dma source(%dma_start3A_255 : memref<72x768xf32, #tpu.memory_space<hbm>>) target(%dma_start3A_253 : memref<72x768xf32, #tpu.memory_space<vmem>>) target_semaphore(%arg8 : memref<!tpu.dma_semaphore, #tpu.memory_space<semaphore_mem>>)
    %dma_wait3A_256 = arith.constant 0 : i32
    %dma_wait3A_257 = arith.constant 0 : i32
    %dma_wait3A_258 = arith.constant 0 : i32
    %dma_wait3A_259 = tpu.memref_slice %arg6[%dma_wait3A_256, %dma_wait3A_257, %dma_wait3A_258] : memref<2x72x768xf32, #tpu.memory_space<vmem>> -> memref<1x72x768xf32, #tpu.memory_space<vmem>>
    %dma_wait3A_260 = tpu.memref_squeeze %dma_wait3A_259 : memref<1x72x768xf32, #tpu.memory_space<vmem>> -> memref<72x768xf32, #tpu.memory_space<vmem>>
    %dma_wait3A_261 = arith.constant 0 : i32
    %dma_wait3A_262 = tpu.memref_slice %arg2[%mul3A_206, %dma_wait3A_261] : memref<147456x768xf32, #tpu.memory_space<hbm>> -> memref<72x768xf32, #tpu.memory_space<hbm>>
    %dma_wait3A_263 = arith.constant 0 : i32
    %dma_wait3A_264 = arith.constant 0 : i32
    %dma_wait3A_265 = tpu.memref_slice %arg6[%dma_wait3A_256, %dma_wait3A_263, %dma_wait3A_264] : memref<2x72x768xf32, #tpu.memory_space<vmem>> -> memref<1x72x768xf32, #tpu.memory_space<vmem>>
    %dma_wait3A_266 = tpu.memref_squeeze %dma_wait3A_265 : memref<1x72x768xf32, #tpu.memory_space<vmem>> -> memref<72x768xf32, #tpu.memory_space<vmem>>
    %dma_wait3A_267 = arith.constant 0 : i32
    %dma_wait3A_268 = tpu.memref_slice %arg2[%mul3A_206, %dma_wait3A_267] : memref<147456x768xf32, #tpu.memory_space<hbm>> -> memref<72x768xf32, #tpu.memory_space<hbm>>
    tpu.wait_dma2 semaphore(%arg7 : memref<!tpu.dma_semaphore, #tpu.memory_space<semaphore_mem>>) src(%dma_wait3A_268 : memref<72x768xf32, #tpu.memory_space<hbm>>) dst(%dma_wait3A_266 : memref<72x768xf32, #tpu.memory_space<vmem>>)
    %mul3A_269 = arith.constant 16 : i32
    %mul3A_270 = arith.muli %add3A, %mul3A_269 : i32
    %add3A_271 = arith.constant 7 : i32
    %add3A_272 = arith.addi %mul3A_270, %add3A_271 : i32
    %add3A_273 = arith.constant 2 : i32
    %add3A_274 = arith.addi %add3A_272, %add3A_273 : i32
    %sub3A_275 = arith.constant 1 : i32
    %sub3A_276 = arith.subi %add3A_274, %sub3A_275 : i32
    %mul3A_277 = arith.constant 72 : i32
    %mul3A_278 = arith.muli %sub3A_276, %mul3A_277 : i32
    %dma_start3A_279 = arith.constant 0 : i32
    %dma_start3A_280 = arith.constant 0 : i32
    %dma_start3A_281 = arith.constant 0 : i32
    %dma_start3A_282 = tpu.memref_slice %arg6[%dma_start3A_279, %dma_start3A_280, %dma_start3A_281] : memref<2x72x768xf32, #tpu.memory_space<vmem>> -> memref<1x72x768xf32, #tpu.memory_space<vmem>>
    %dma_start3A_283 = tpu.memref_squeeze %dma_start3A_282 : memref<1x72x768xf32, #tpu.memory_space<vmem>> -> memref<72x768xf32, #tpu.memory_space<vmem>>
    %dma_start3A_284 = arith.constant 0 : i32
    %dma_start3A_285 = tpu.memref_slice %arg2[%mul3A_278, %dma_start3A_284] : memref<147456x768xf32, #tpu.memory_space<hbm>> -> memref<72x768xf32, #tpu.memory_space<hbm>>
    %dma_start3A_286 = arith.constant 0 : i32
    %dma_start3A_287 = arith.constant 0 : i32
    %dma_start3A_288 = tpu.memref_slice %arg6[%dma_start3A_279, %dma_start3A_286, %dma_start3A_287] : memref<2x72x768xf32, #tpu.memory_space<vmem>> -> memref<1x72x768xf32, #tpu.memory_space<vmem>>
    %dma_start3A_289 = tpu.memref_squeeze %dma_start3A_288 : memref<1x72x768xf32, #tpu.memory_space<vmem>> -> memref<72x768xf32, #tpu.memory_space<vmem>>
    %dma_start3A_290 = arith.constant 0 : i32
    %dma_start3A_291 = tpu.memref_slice %arg2[%mul3A_278, %dma_start3A_290] : memref<147456x768xf32, #tpu.memory_space<hbm>> -> memref<72x768xf32, #tpu.memory_space<hbm>>
    tpu.enqueue_dma source(%dma_start3A_291 : memref<72x768xf32, #tpu.memory_space<hbm>>) target(%dma_start3A_289 : memref<72x768xf32, #tpu.memory_space<vmem>>) target_semaphore(%arg7 : memref<!tpu.dma_semaphore, #tpu.memory_space<semaphore_mem>>)
    %dma_wait3A_292 = arith.constant 1 : i32
    %dma_wait3A_293 = arith.constant 0 : i32
    %dma_wait3A_294 = arith.constant 0 : i32
    %dma_wait3A_295 = tpu.memref_slice %arg6[%dma_wait3A_292, %dma_wait3A_293, %dma_wait3A_294] : memref<2x72x768xf32, #tpu.memory_space<vmem>> -> memref<1x72x768xf32, #tpu.memory_space<vmem>>
    %dma_wait3A_296 = tpu.memref_squeeze %dma_wait3A_295 : memref<1x72x768xf32, #tpu.memory_space<vmem>> -> memref<72x768xf32, #tpu.memory_space<vmem>>
    %dma_wait3A_297 = arith.constant 0 : i32
    %dma_wait3A_298 = tpu.memref_slice %arg2[%mul3A_242, %dma_wait3A_297] : memref<147456x768xf32, #tpu.memory_space<hbm>> -> memref<72x768xf32, #tpu.memory_space<hbm>>
    %dma_wait3A_299 = arith.constant 0 : i32
    %dma_wait3A_300 = arith.constant 0 : i32
    %dma_wait3A_301 = tpu.memref_slice %arg6[%dma_wait3A_292, %dma_wait3A_299, %dma_wait3A_300] : memref<2x72x768xf32, #tpu.memory_space<vmem>> -> memref<1x72x768xf32, #tpu.memory_space<vmem>>
    %dma_wait3A_302 = tpu.memref_squeeze %dma_wait3A_301 : memref<1x72x768xf32, #tpu.memory_space<vmem>> -> memref<72x768xf32, #tpu.memory_space<vmem>>
    %dma_wait3A_303 = arith.constant 0 : i32
    %dma_wait3A_304 = tpu.memref_slice %arg2[%mul3A_242, %dma_wait3A_303] : memref<147456x768xf32, #tpu.memory_space<hbm>> -> memref<72x768xf32, #tpu.memory_space<hbm>>
    tpu.wait_dma2 semaphore(%arg8 : memref<!tpu.dma_semaphore, #tpu.memory_space<semaphore_mem>>) src(%dma_wait3A_304 : memref<72x768xf32, #tpu.memory_space<hbm>>) dst(%dma_wait3A_302 : memref<72x768xf32, #tpu.memory_space<vmem>>)
    %mul3A_305 = arith.constant 16 : i32
    %mul3A_306 = arith.muli %add3A, %mul3A_305 : i32
    %add3A_307 = arith.constant 8 : i32
    %add3A_308 = arith.addi %mul3A_306, %add3A_307 : i32
    %add3A_309 = arith.constant 2 : i32
    %add3A_310 = arith.addi %add3A_308, %add3A_309 : i32
    %sub3A_311 = arith.constant 1 : i32
    %sub3A_312 = arith.subi %add3A_310, %sub3A_311 : i32
    %mul3A_313 = arith.constant 72 : i32
    %mul3A_314 = arith.muli %sub3A_312, %mul3A_313 : i32
    %dma_start3A_315 = arith.constant 1 : i32
    %dma_start3A_316 = arith.constant 0 : i32
    %dma_start3A_317 = arith.constant 0 : i32
    %dma_start3A_318 = tpu.memref_slice %arg6[%dma_start3A_315, %dma_start3A_316, %dma_start3A_317] : memref<2x72x768xf32, #tpu.memory_space<vmem>> -> memref<1x72x768xf32, #tpu.memory_space<vmem>>
    %dma_start3A_319 = tpu.memref_squeeze %dma_start3A_318 : memref<1x72x768xf32, #tpu.memory_space<vmem>> -> memref<72x768xf32, #tpu.memory_space<vmem>>
    %dma_start3A_320 = arith.constant 0 : i32
    %dma_start3A_321 = tpu.memref_slice %arg2[%mul3A_314, %dma_start3A_320] : memref<147456x768xf32, #tpu.memory_space<hbm>> -> memref<72x768xf32, #tpu.memory_space<hbm>>
    %dma_start3A_322 = arith.constant 0 : i32
    %dma_start3A_323 = arith.constant 0 : i32
    %dma_start3A_324 = tpu.memref_slice %arg6[%dma_start3A_315, %dma_start3A_322, %dma_start3A_323] : memref<2x72x768xf32, #tpu.memory_space<vmem>> -> memref<1x72x768xf32, #tpu.memory_space<vmem>>
    %dma_start3A_325 = tpu.memref_squeeze %dma_start3A_324 : memref<1x72x768xf32, #tpu.memory_space<vmem>> -> memref<72x768xf32, #tpu.memory_space<vmem>>
    %dma_start3A_326 = arith.constant 0 : i32
    %dma_start3A_327 = tpu.memref_slice %arg2[%mul3A_314, %dma_start3A_326] : memref<147456x768xf32, #tpu.memory_space<hbm>> -> memref<72x768xf32, #tpu.memory_space<hbm>>
    tpu.enqueue_dma source(%dma_start3A_327 : memref<72x768xf32, #tpu.memory_space<hbm>>) target(%dma_start3A_325 : memref<72x768xf32, #tpu.memory_space<vmem>>) target_semaphore(%arg8 : memref<!tpu.dma_semaphore, #tpu.memory_space<semaphore_mem>>)
    %dma_wait3A_328 = arith.constant 0 : i32
    %dma_wait3A_329 = arith.constant 0 : i32
    %dma_wait3A_330 = arith.constant 0 : i32
    %dma_wait3A_331 = tpu.memref_slice %arg6[%dma_wait3A_328, %dma_wait3A_329, %dma_wait3A_330] : memref<2x72x768xf32, #tpu.memory_space<vmem>> -> memref<1x72x768xf32, #tpu.memory_space<vmem>>
    %dma_wait3A_332 = tpu.memref_squeeze %dma_wait3A_331 : memref<1x72x768xf32, #tpu.memory_space<vmem>> -> memref<72x768xf32, #tpu.memory_space<vmem>>
    %dma_wait3A_333 = arith.constant 0 : i32
    %dma_wait3A_334 = tpu.memref_slice %arg2[%mul3A_278, %dma_wait3A_333] : memref<147456x768xf32, #tpu.memory_space<hbm>> -> memref<72x768xf32, #tpu.memory_space<hbm>>
    %dma_wait3A_335 = arith.constant 0 : i32
    %dma_wait3A_336 = arith.constant 0 : i32
    %dma_wait3A_337 = tpu.memref_slice %arg6[%dma_wait3A_328, %dma_wait3A_335, %dma_wait3A_336] : memref<2x72x768xf32, #tpu.memory_space<vmem>> -> memref<1x72x768xf32, #tpu.memory_space<vmem>>
    %dma_wait3A_338 = tpu.memref_squeeze %dma_wait3A_337 : memref<1x72x768xf32, #tpu.memory_space<vmem>> -> memref<72x768xf32, #tpu.memory_space<vmem>>
    %dma_wait3A_339 = arith.constant 0 : i32
    %dma_wait3A_340 = tpu.memref_slice %arg2[%mul3A_278, %dma_wait3A_339] : memref<147456x768xf32, #tpu.memory_space<hbm>> -> memref<72x768xf32, #tpu.memory_space<hbm>>
    tpu.wait_dma2 semaphore(%arg7 : memref<!tpu.dma_semaphore, #tpu.memory_space<semaphore_mem>>) src(%dma_wait3A_340 : memref<72x768xf32, #tpu.memory_space<hbm>>) dst(%dma_wait3A_338 : memref<72x768xf32, #tpu.memory_space<vmem>>)
    %mul3A_341 = arith.constant 16 : i32
    %mul3A_342 = arith.muli %add3A, %mul3A_341 : i32
    %add3A_343 = arith.constant 9 : i32
    %add3A_344 = arith.addi %mul3A_342, %add3A_343 : i32
    %add3A_345 = arith.constant 2 : i32
    %add3A_346 = arith.addi %add3A_344, %add3A_345 : i32
    %sub3A_347 = arith.constant 1 : i32
    %sub3A_348 = arith.subi %add3A_346, %sub3A_347 : i32
    %mul3A_349 = arith.constant 72 : i32
    %mul3A_350 = arith.muli %sub3A_348, %mul3A_349 : i32
    %dma_start3A_351 = arith.constant 0 : i32
    %dma_start3A_352 = arith.constant 0 : i32
    %dma_start3A_353 = arith.constant 0 : i32
    %dma_start3A_354 = tpu.memref_slice %arg6[%dma_start3A_351, %dma_start3A_352, %dma_start3A_353] : memref<2x72x768xf32, #tpu.memory_space<vmem>> -> memref<1x72x768xf32, #tpu.memory_space<vmem>>
    %dma_start3A_355 = tpu.memref_squeeze %dma_start3A_354 : memref<1x72x768xf32, #tpu.memory_space<vmem>> -> memref<72x768xf32, #tpu.memory_space<vmem>>
    %dma_start3A_356 = arith.constant 0 : i32
    %dma_start3A_357 = tpu.memref_slice %arg2[%mul3A_350, %dma_start3A_356] : memref<147456x768xf32, #tpu.memory_space<hbm>> -> memref<72x768xf32, #tpu.memory_space<hbm>>
    %dma_start3A_358 = arith.constant 0 : i32
    %dma_start3A_359 = arith.constant 0 : i32
    %dma_start3A_360 = tpu.memref_slice %arg6[%dma_start3A_351, %dma_start3A_358, %dma_start3A_359] : memref<2x72x768xf32, #tpu.memory_space<vmem>> -> memref<1x72x768xf32, #tpu.memory_space<vmem>>
    %dma_start3A_361 = tpu.memref_squeeze %dma_start3A_360 : memref<1x72x768xf32, #tpu.memory_space<vmem>> -> memref<72x768xf32, #tpu.memory_space<vmem>>
    %dma_start3A_362 = arith.constant 0 : i32
    %dma_start3A_363 = tpu.memref_slice %arg2[%mul3A_350, %dma_start3A_362] : memref<147456x768xf32, #tpu.memory_space<hbm>> -> memref<72x768xf32, #tpu.memory_space<hbm>>
    tpu.enqueue_dma source(%dma_start3A_363 : memref<72x768xf32, #tpu.memory_space<hbm>>) target(%dma_start3A_361 : memref<72x768xf32, #tpu.memory_space<vmem>>) target_semaphore(%arg7 : memref<!tpu.dma_semaphore, #tpu.memory_space<semaphore_mem>>)
    %dma_wait3A_364 = arith.constant 1 : i32
    %dma_wait3A_365 = arith.constant 0 : i32
    %dma_wait3A_366 = arith.constant 0 : i32
    %dma_wait3A_367 = tpu.memref_slice %arg6[%dma_wait3A_364, %dma_wait3A_365, %dma_wait3A_366] : memref<2x72x768xf32, #tpu.memory_space<vmem>> -> memref<1x72x768xf32, #tpu.memory_space<vmem>>
    %dma_wait3A_368 = tpu.memref_squeeze %dma_wait3A_367 : memref<1x72x768xf32, #tpu.memory_space<vmem>> -> memref<72x768xf32, #tpu.memory_space<vmem>>
    %dma_wait3A_369 = arith.constant 0 : i32
    %dma_wait3A_370 = tpu.memref_slice %arg2[%mul3A_314, %dma_wait3A_369] : memref<147456x768xf32, #tpu.memory_space<hbm>> -> memref<72x768xf32, #tpu.memory_space<hbm>>
    %dma_wait3A_371 = arith.constant 0 : i32
    %dma_wait3A_372 = arith.constant 0 : i32
    %dma_wait3A_373 = tpu.memref_slice %arg6[%dma_wait3A_364, %dma_wait3A_371, %dma_wait3A_372] : memref<2x72x768xf32, #tpu.memory_space<vmem>> -> memref<1x72x768xf32, #tpu.memory_space<vmem>>
    %dma_wait3A_374 = tpu.memref_squeeze %dma_wait3A_373 : memref<1x72x768xf32, #tpu.memory_space<vmem>> -> memref<72x768xf32, #tpu.memory_space<vmem>>
    %dma_wait3A_375 = arith.constant 0 : i32
    %dma_wait3A_376 = tpu.memref_slice %arg2[%mul3A_314, %dma_wait3A_375] : memref<147456x768xf32, #tpu.memory_space<hbm>> -> memref<72x768xf32, #tpu.memory_space<hbm>>
    tpu.wait_dma2 semaphore(%arg8 : memref<!tpu.dma_semaphore, #tpu.memory_space<semaphore_mem>>) src(%dma_wait3A_376 : memref<72x768xf32, #tpu.memory_space<hbm>>) dst(%dma_wait3A_374 : memref<72x768xf32, #tpu.memory_space<vmem>>)
    %mul3A_377 = arith.constant 16 : i32
    %mul3A_378 = arith.muli %add3A, %mul3A_377 : i32
    %add3A_379 = arith.constant 10 : i32
    %add3A_380 = arith.addi %mul3A_378, %add3A_379 : i32
    %add3A_381 = arith.constant 2 : i32
    %add3A_382 = arith.addi %add3A_380, %add3A_381 : i32
    %sub3A_383 = arith.constant 1 : i32
    %sub3A_384 = arith.subi %add3A_382, %sub3A_383 : i32
    %mul3A_385 = arith.constant 72 : i32
    %mul3A_386 = arith.muli %sub3A_384, %mul3A_385 : i32
    %dma_start3A_387 = arith.constant 1 : i32
    %dma_start3A_388 = arith.constant 0 : i32
    %dma_start3A_389 = arith.constant 0 : i32
    %dma_start3A_390 = tpu.memref_slice %arg6[%dma_start3A_387, %dma_start3A_388, %dma_start3A_389] : memref<2x72x768xf32, #tpu.memory_space<vmem>> -> memref<1x72x768xf32, #tpu.memory_space<vmem>>
    %dma_start3A_391 = tpu.memref_squeeze %dma_start3A_390 : memref<1x72x768xf32, #tpu.memory_space<vmem>> -> memref<72x768xf32, #tpu.memory_space<vmem>>
    %dma_start3A_392 = arith.constant 0 : i32
    %dma_start3A_393 = tpu.memref_slice %arg2[%mul3A_386, %dma_start3A_392] : memref<147456x768xf32, #tpu.memory_space<hbm>> -> memref<72x768xf32, #tpu.memory_space<hbm>>
    %dma_start3A_394 = arith.constant 0 : i32
    %dma_start3A_395 = arith.constant 0 : i32
    %dma_start3A_396 = tpu.memref_slice %arg6[%dma_start3A_387, %dma_start3A_394, %dma_start3A_395] : memref<2x72x768xf32, #tpu.memory_space<vmem>> -> memref<1x72x768xf32, #tpu.memory_space<vmem>>
    %dma_start3A_397 = tpu.memref_squeeze %dma_start3A_396 : memref<1x72x768xf32, #tpu.memory_space<vmem>> -> memref<72x768xf32, #tpu.memory_space<vmem>>
    %dma_start3A_398 = arith.constant 0 : i32
    %dma_start3A_399 = tpu.memref_slice %arg2[%mul3A_386, %dma_start3A_398] : memref<147456x768xf32, #tpu.memory_space<hbm>> -> memref<72x768xf32, #tpu.memory_space<hbm>>
    tpu.enqueue_dma source(%dma_start3A_399 : memref<72x768xf32, #tpu.memory_space<hbm>>) target(%dma_start3A_397 : memref<72x768xf32, #tpu.memory_space<vmem>>) target_semaphore(%arg8 : memref<!tpu.dma_semaphore, #tpu.memory_space<semaphore_mem>>)
    %dma_wait3A_400 = arith.constant 0 : i32
    %dma_wait3A_401 = arith.constant 0 : i32
    %dma_wait3A_402 = arith.constant 0 : i32
    %dma_wait3A_403 = tpu.memref_slice %arg6[%dma_wait3A_400, %dma_wait3A_401, %dma_wait3A_402] : memref<2x72x768xf32, #tpu.memory_space<vmem>> -> memref<1x72x768xf32, #tpu.memory_space<vmem>>
    %dma_wait3A_404 = tpu.memref_squeeze %dma_wait3A_403 : memref<1x72x768xf32, #tpu.memory_space<vmem>> -> memref<72x768xf32, #tpu.memory_space<vmem>>
    %dma_wait3A_405 = arith.constant 0 : i32
    %dma_wait3A_406 = tpu.memref_slice %arg2[%mul3A_350, %dma_wait3A_405] : memref<147456x768xf32, #tpu.memory_space<hbm>> -> memref<72x768xf32, #tpu.memory_space<hbm>>
    %dma_wait3A_407 = arith.constant 0 : i32
    %dma_wait3A_408 = arith.constant 0 : i32
    %dma_wait3A_409 = tpu.memref_slice %arg6[%dma_wait3A_400, %dma_wait3A_407, %dma_wait3A_408] : memref<2x72x768xf32, #tpu.memory_space<vmem>> -> memref<1x72x768xf32, #tpu.memory_space<vmem>>
    %dma_wait3A_410 = tpu.memref_squeeze %dma_wait3A_409 : memref<1x72x768xf32, #tpu.memory_space<vmem>> -> memref<72x768xf32, #tpu.memory_space<vmem>>
    %dma_wait3A_411 = arith.constant 0 : i32
    %dma_wait3A_412 = tpu.memref_slice %arg2[%mul3A_350, %dma_wait3A_411] : memref<147456x768xf32, #tpu.memory_space<hbm>> -> memref<72x768xf32, #tpu.memory_space<hbm>>
    tpu.wait_dma2 semaphore(%arg7 : memref<!tpu.dma_semaphore, #tpu.memory_space<semaphore_mem>>) src(%dma_wait3A_412 : memref<72x768xf32, #tpu.memory_space<hbm>>) dst(%dma_wait3A_410 : memref<72x768xf32, #tpu.memory_space<vmem>>)
    %mul3A_413 = arith.constant 16 : i32
    %mul3A_414 = arith.muli %add3A, %mul3A_413 : i32
    %add3A_415 = arith.constant 11 : i32
    %add3A_416 = arith.addi %mul3A_414, %add3A_415 : i32
    %add3A_417 = arith.constant 2 : i32
    %add3A_418 = arith.addi %add3A_416, %add3A_417 : i32
    %sub3A_419 = arith.constant 1 : i32
    %sub3A_420 = arith.subi %add3A_418, %sub3A_419 : i32
    %mul3A_421 = arith.constant 72 : i32
    %mul3A_422 = arith.muli %sub3A_420, %mul3A_421 : i32
    %dma_start3A_423 = arith.constant 0 : i32
    %dma_start3A_424 = arith.constant 0 : i32
    %dma_start3A_425 = arith.constant 0 : i32
    %dma_start3A_426 = tpu.memref_slice %arg6[%dma_start3A_423, %dma_start3A_424, %dma_start3A_425] : memref<2x72x768xf32, #tpu.memory_space<vmem>> -> memref<1x72x768xf32, #tpu.memory_space<vmem>>
    %dma_start3A_427 = tpu.memref_squeeze %dma_start3A_426 : memref<1x72x768xf32, #tpu.memory_space<vmem>> -> memref<72x768xf32, #tpu.memory_space<vmem>>
    %dma_start3A_428 = arith.constant 0 : i32
    %dma_start3A_429 = tpu.memref_slice %arg2[%mul3A_422, %dma_start3A_428] : memref<147456x768xf32, #tpu.memory_space<hbm>> -> memref<72x768xf32, #tpu.memory_space<hbm>>
    %dma_start3A_430 = arith.constant 0 : i32
    %dma_start3A_431 = arith.constant 0 : i32
    %dma_start3A_432 = tpu.memref_slice %arg6[%dma_start3A_423, %dma_start3A_430, %dma_start3A_431] : memref<2x72x768xf32, #tpu.memory_space<vmem>> -> memref<1x72x768xf32, #tpu.memory_space<vmem>>
    %dma_start3A_433 = tpu.memref_squeeze %dma_start3A_432 : memref<1x72x768xf32, #tpu.memory_space<vmem>> -> memref<72x768xf32, #tpu.memory_space<vmem>>
    %dma_start3A_434 = arith.constant 0 : i32
    %dma_start3A_435 = tpu.memref_slice %arg2[%mul3A_422, %dma_start3A_434] : memref<147456x768xf32, #tpu.memory_space<hbm>> -> memref<72x768xf32, #tpu.memory_space<hbm>>
    tpu.enqueue_dma source(%dma_start3A_435 : memref<72x768xf32, #tpu.memory_space<hbm>>) target(%dma_start3A_433 : memref<72x768xf32, #tpu.memory_space<vmem>>) target_semaphore(%arg7 : memref<!tpu.dma_semaphore, #tpu.memory_space<semaphore_mem>>)
    %dma_wait3A_436 = arith.constant 1 : i32
    %dma_wait3A_437 = arith.constant 0 : i32
    %dma_wait3A_438 = arith.constant 0 : i32
    %dma_wait3A_439 = tpu.memref_slice %arg6[%dma_wait3A_436, %dma_wait3A_437, %dma_wait3A_438] : memref<2x72x768xf32, #tpu.memory_space<vmem>> -> memref<1x72x768xf32, #tpu.memory_space<vmem>>
    %dma_wait3A_440 = tpu.memref_squeeze %dma_wait3A_439 : memref<1x72x768xf32, #tpu.memory_space<vmem>> -> memref<72x768xf32, #tpu.memory_space<vmem>>
    %dma_wait3A_441 = arith.constant 0 : i32
    %dma_wait3A_442 = tpu.memref_slice %arg2[%mul3A_386, %dma_wait3A_441] : memref<147456x768xf32, #tpu.memory_space<hbm>> -> memref<72x768xf32, #tpu.memory_space<hbm>>
    %dma_wait3A_443 = arith.constant 0 : i32
    %dma_wait3A_444 = arith.constant 0 : i32
    %dma_wait3A_445 = tpu.memref_slice %arg6[%dma_wait3A_436, %dma_wait3A_443, %dma_wait3A_444] : memref<2x72x768xf32, #tpu.memory_space<vmem>> -> memref<1x72x768xf32, #tpu.memory_space<vmem>>
    %dma_wait3A_446 = tpu.memref_squeeze %dma_wait3A_445 : memref<1x72x768xf32, #tpu.memory_space<vmem>> -> memref<72x768xf32, #tpu.memory_space<vmem>>
    %dma_wait3A_447 = arith.constant 0 : i32
    %dma_wait3A_448 = tpu.memref_slice %arg2[%mul3A_386, %dma_wait3A_447] : memref<147456x768xf32, #tpu.memory_space<hbm>> -> memref<72x768xf32, #tpu.memory_space<hbm>>
    tpu.wait_dma2 semaphore(%arg8 : memref<!tpu.dma_semaphore, #tpu.memory_space<semaphore_mem>>) src(%dma_wait3A_448 : memref<72x768xf32, #tpu.memory_space<hbm>>) dst(%dma_wait3A_446 : memref<72x768xf32, #tpu.memory_space<vmem>>)
    %mul3A_449 = arith.constant 16 : i32
    %mul3A_450 = arith.muli %add3A, %mul3A_449 : i32
    %add3A_451 = arith.constant 12 : i32
    %add3A_452 = arith.addi %mul3A_450, %add3A_451 : i32
    %add3A_453 = arith.constant 2 : i32
    %add3A_454 = arith.addi %add3A_452, %add3A_453 : i32
    %sub3A_455 = arith.constant 1 : i32
    %sub3A_456 = arith.subi %add3A_454, %sub3A_455 : i32
    %mul3A_457 = arith.constant 72 : i32
    %mul3A_458 = arith.muli %sub3A_456, %mul3A_457 : i32
    %dma_start3A_459 = arith.constant 1 : i32
    %dma_start3A_460 = arith.constant 0 : i32
    %dma_start3A_461 = arith.constant 0 : i32
    %dma_start3A_462 = tpu.memref_slice %arg6[%dma_start3A_459, %dma_start3A_460, %dma_start3A_461] : memref<2x72x768xf32, #tpu.memory_space<vmem>> -> memref<1x72x768xf32, #tpu.memory_space<vmem>>
    %dma_start3A_463 = tpu.memref_squeeze %dma_start3A_462 : memref<1x72x768xf32, #tpu.memory_space<vmem>> -> memref<72x768xf32, #tpu.memory_space<vmem>>
    %dma_start3A_464 = arith.constant 0 : i32
    %dma_start3A_465 = tpu.memref_slice %arg2[%mul3A_458, %dma_start3A_464] : memref<147456x768xf32, #tpu.memory_space<hbm>> -> memref<72x768xf32, #tpu.memory_space<hbm>>
    %dma_start3A_466 = arith.constant 0 : i32
    %dma_start3A_467 = arith.constant 0 : i32
    %dma_start3A_468 = tpu.memref_slice %arg6[%dma_start3A_459, %dma_start3A_466, %dma_start3A_467] : memref<2x72x768xf32, #tpu.memory_space<vmem>> -> memref<1x72x768xf32, #tpu.memory_space<vmem>>
    %dma_start3A_469 = tpu.memref_squeeze %dma_start3A_468 : memref<1x72x768xf32, #tpu.memory_space<vmem>> -> memref<72x768xf32, #tpu.memory_space<vmem>>
    %dma_start3A_470 = arith.constant 0 : i32
    %dma_start3A_471 = tpu.memref_slice %arg2[%mul3A_458, %dma_start3A_470] : memref<147456x768xf32, #tpu.memory_space<hbm>> -> memref<72x768xf32, #tpu.memory_space<hbm>>
    tpu.enqueue_dma source(%dma_start3A_471 : memref<72x768xf32, #tpu.memory_space<hbm>>) target(%dma_start3A_469 : memref<72x768xf32, #tpu.memory_space<vmem>>) target_semaphore(%arg8 : memref<!tpu.dma_semaphore, #tpu.memory_space<semaphore_mem>>)
    %dma_wait3A_472 = arith.constant 0 : i32
    %dma_wait3A_473 = arith.constant 0 : i32
    %dma_wait3A_474 = arith.constant 0 : i32
    %dma_wait3A_475 = tpu.memref_slice %arg6[%dma_wait3A_472, %dma_wait3A_473, %dma_wait3A_474] : memref<2x72x768xf32, #tpu.memory_space<vmem>> -> memref<1x72x768xf32, #tpu.memory_space<vmem>>
    %dma_wait3A_476 = tpu.memref_squeeze %dma_wait3A_475 : memref<1x72x768xf32, #tpu.memory_space<vmem>> -> memref<72x768xf32, #tpu.memory_space<vmem>>
    %dma_wait3A_477 = arith.constant 0 : i32
    %dma_wait3A_478 = tpu.memref_slice %arg2[%mul3A_422, %dma_wait3A_477] : memref<147456x768xf32, #tpu.memory_space<hbm>> -> memref<72x768xf32, #tpu.memory_space<hbm>>
    %dma_wait3A_479 = arith.constant 0 : i32
    %dma_wait3A_480 = arith.constant 0 : i32
    %dma_wait3A_481 = tpu.memref_slice %arg6[%dma_wait3A_472, %dma_wait3A_479, %dma_wait3A_480] : memref<2x72x768xf32, #tpu.memory_space<vmem>> -> memref<1x72x768xf32, #tpu.memory_space<vmem>>
    %dma_wait3A_482 = tpu.memref_squeeze %dma_wait3A_481 : memref<1x72x768xf32, #tpu.memory_space<vmem>> -> memref<72x768xf32, #tpu.memory_space<vmem>>
    %dma_wait3A_483 = arith.constant 0 : i32
    %dma_wait3A_484 = tpu.memref_slice %arg2[%mul3A_422, %dma_wait3A_483] : memref<147456x768xf32, #tpu.memory_space<hbm>> -> memref<72x768xf32, #tpu.memory_space<hbm>>
    tpu.wait_dma2 semaphore(%arg7 : memref<!tpu.dma_semaphore, #tpu.memory_space<semaphore_mem>>) src(%dma_wait3A_484 : memref<72x768xf32, #tpu.memory_space<hbm>>) dst(%dma_wait3A_482 : memref<72x768xf32, #tpu.memory_space<vmem>>)
    %mul3A_485 = arith.constant 16 : i32
    %mul3A_486 = arith.muli %add3A, %mul3A_485 : i32
    %add3A_487 = arith.constant 13 : i32
    %add3A_488 = arith.addi %mul3A_486, %add3A_487 : i32
    %add3A_489 = arith.constant 2 : i32
    %add3A_490 = arith.addi %add3A_488, %add3A_489 : i32
    %sub3A_491 = arith.constant 1 : i32
    %sub3A_492 = arith.subi %add3A_490, %sub3A_491 : i32
    %mul3A_493 = arith.constant 72 : i32
    %mul3A_494 = arith.muli %sub3A_492, %mul3A_493 : i32
    %dma_start3A_495 = arith.constant 0 : i32
    %dma_start3A_496 = arith.constant 0 : i32
    %dma_start3A_497 = arith.constant 0 : i32
    %dma_start3A_498 = tpu.memref_slice %arg6[%dma_start3A_495, %dma_start3A_496, %dma_start3A_497] : memref<2x72x768xf32, #tpu.memory_space<vmem>> -> memref<1x72x768xf32, #tpu.memory_space<vmem>>
    %dma_start3A_499 = tpu.memref_squeeze %dma_start3A_498 : memref<1x72x768xf32, #tpu.memory_space<vmem>> -> memref<72x768xf32, #tpu.memory_space<vmem>>
    %dma_start3A_500 = arith.constant 0 : i32
    %dma_start3A_501 = tpu.memref_slice %arg2[%mul3A_494, %dma_start3A_500] : memref<147456x768xf32, #tpu.memory_space<hbm>> -> memref<72x768xf32, #tpu.memory_space<hbm>>
    %dma_start3A_502 = arith.constant 0 : i32
    %dma_start3A_503 = arith.constant 0 : i32
    %dma_start3A_504 = tpu.memref_slice %arg6[%dma_start3A_495, %dma_start3A_502, %dma_start3A_503] : memref<2x72x768xf32, #tpu.memory_space<vmem>> -> memref<1x72x768xf32, #tpu.memory_space<vmem>>
    %dma_start3A_505 = tpu.memref_squeeze %dma_start3A_504 : memref<1x72x768xf32, #tpu.memory_space<vmem>> -> memref<72x768xf32, #tpu.memory_space<vmem>>
    %dma_start3A_506 = arith.constant 0 : i32
    %dma_start3A_507 = tpu.memref_slice %arg2[%mul3A_494, %dma_start3A_506] : memref<147456x768xf32, #tpu.memory_space<hbm>> -> memref<72x768xf32, #tpu.memory_space<hbm>>
    tpu.enqueue_dma source(%dma_start3A_507 : memref<72x768xf32, #tpu.memory_space<hbm>>) target(%dma_start3A_505 : memref<72x768xf32, #tpu.memory_space<vmem>>) target_semaphore(%arg7 : memref<!tpu.dma_semaphore, #tpu.memory_space<semaphore_mem>>)
    %dma_wait3A_508 = arith.constant 1 : i32
    %dma_wait3A_509 = arith.constant 0 : i32
    %dma_wait3A_510 = arith.constant 0 : i32
    %dma_wait3A_511 = tpu.memref_slice %arg6[%dma_wait3A_508, %dma_wait3A_509, %dma_wait3A_510] : memref<2x72x768xf32, #tpu.memory_space<vmem>> -> memref<1x72x768xf32, #tpu.memory_space<vmem>>
    %dma_wait3A_512 = tpu.memref_squeeze %dma_wait3A_511 : memref<1x72x768xf32, #tpu.memory_space<vmem>> -> memref<72x768xf32, #tpu.memory_space<vmem>>
    %dma_wait3A_513 = arith.constant 0 : i32
    %dma_wait3A_514 = tpu.memref_slice %arg2[%mul3A_458, %dma_wait3A_513] : memref<147456x768xf32, #tpu.memory_space<hbm>> -> memref<72x768xf32, #tpu.memory_space<hbm>>
    %dma_wait3A_515 = arith.constant 0 : i32
    %dma_wait3A_516 = arith.constant 0 : i32
    %dma_wait3A_517 = tpu.memref_slice %arg6[%dma_wait3A_508, %dma_wait3A_515, %dma_wait3A_516] : memref<2x72x768xf32, #tpu.memory_space<vmem>> -> memref<1x72x768xf32, #tpu.memory_space<vmem>>
    %dma_wait3A_518 = tpu.memref_squeeze %dma_wait3A_517 : memref<1x72x768xf32, #tpu.memory_space<vmem>> -> memref<72x768xf32, #tpu.memory_space<vmem>>
    %dma_wait3A_519 = arith.constant 0 : i32
    %dma_wait3A_520 = tpu.memref_slice %arg2[%mul3A_458, %dma_wait3A_519] : memref<147456x768xf32, #tpu.memory_space<hbm>> -> memref<72x768xf32, #tpu.memory_space<hbm>>
    tpu.wait_dma2 semaphore(%arg8 : memref<!tpu.dma_semaphore, #tpu.memory_space<semaphore_mem>>) src(%dma_wait3A_520 : memref<72x768xf32, #tpu.memory_space<hbm>>) dst(%dma_wait3A_518 : memref<72x768xf32, #tpu.memory_space<vmem>>)
    %mul3A_521 = arith.constant 16 : i32
    %mul3A_522 = arith.muli %add3A, %mul3A_521 : i32
    %add3A_523 = arith.constant 14 : i32
    %add3A_524 = arith.addi %mul3A_522, %add3A_523 : i32
    %add3A_525 = arith.constant 2 : i32
    %add3A_526 = arith.addi %add3A_524, %add3A_525 : i32
    %sub3A_527 = arith.constant 1 : i32
    %sub3A_528 = arith.subi %add3A_526, %sub3A_527 : i32
    %mul3A_529 = arith.constant 72 : i32
    %mul3A_530 = arith.muli %sub3A_528, %mul3A_529 : i32
    %dma_start3A_531 = arith.constant 1 : i32
    %dma_start3A_532 = arith.constant 0 : i32
    %dma_start3A_533 = arith.constant 0 : i32
    %dma_start3A_534 = tpu.memref_slice %arg6[%dma_start3A_531, %dma_start3A_532, %dma_start3A_533] : memref<2x72x768xf32, #tpu.memory_space<vmem>> -> memref<1x72x768xf32, #tpu.memory_space<vmem>>
    %dma_start3A_535 = tpu.memref_squeeze %dma_start3A_534 : memref<1x72x768xf32, #tpu.memory_space<vmem>> -> memref<72x768xf32, #tpu.memory_space<vmem>>
    %dma_start3A_536 = arith.constant 0 : i32
    %dma_start3A_537 = tpu.memref_slice %arg2[%mul3A_530, %dma_start3A_536] : memref<147456x768xf32, #tpu.memory_space<hbm>> -> memref<72x768xf32, #tpu.memory_space<hbm>>
    %dma_start3A_538 = arith.constant 0 : i32
    %dma_start3A_539 = arith.constant 0 : i32
    %dma_start3A_540 = tpu.memref_slice %arg6[%dma_start3A_531, %dma_start3A_538, %dma_start3A_539] : memref<2x72x768xf32, #tpu.memory_space<vmem>> -> memref<1x72x768xf32, #tpu.memory_space<vmem>>
    %dma_start3A_541 = tpu.memref_squeeze %dma_start3A_540 : memref<1x72x768xf32, #tpu.memory_space<vmem>> -> memref<72x768xf32, #tpu.memory_space<vmem>>
    %dma_start3A_542 = arith.constant 0 : i32
    %dma_start3A_543 = tpu.memref_slice %arg2[%mul3A_530, %dma_start3A_542] : memref<147456x768xf32, #tpu.memory_space<hbm>> -> memref<72x768xf32, #tpu.memory_space<hbm>>
    tpu.enqueue_dma source(%dma_start3A_543 : memref<72x768xf32, #tpu.memory_space<hbm>>) target(%dma_start3A_541 : memref<72x768xf32, #tpu.memory_space<vmem>>) target_semaphore(%arg8 : memref<!tpu.dma_semaphore, #tpu.memory_space<semaphore_mem>>)
    %dma_wait3A_544 = arith.constant 0 : i32
    %dma_wait3A_545 = arith.constant 0 : i32
    %dma_wait3A_546 = arith.constant 0 : i32
    %dma_wait3A_547 = tpu.memref_slice %arg6[%dma_wait3A_544, %dma_wait3A_545, %dma_wait3A_546] : memref<2x72x768xf32, #tpu.memory_space<vmem>> -> memref<1x72x768xf32, #tpu.memory_space<vmem>>
    %dma_wait3A_548 = tpu.memref_squeeze %dma_wait3A_547 : memref<1x72x768xf32, #tpu.memory_space<vmem>> -> memref<72x768xf32, #tpu.memory_space<vmem>>
    %dma_wait3A_549 = arith.constant 0 : i32
    %dma_wait3A_550 = tpu.memref_slice %arg2[%mul3A_494, %dma_wait3A_549] : memref<147456x768xf32, #tpu.memory_space<hbm>> -> memref<72x768xf32, #tpu.memory_space<hbm>>
    %dma_wait3A_551 = arith.constant 0 : i32
    %dma_wait3A_552 = arith.constant 0 : i32
    %dma_wait3A_553 = tpu.memref_slice %arg6[%dma_wait3A_544, %dma_wait3A_551, %dma_wait3A_552] : memref<2x72x768xf32, #tpu.memory_space<vmem>> -> memref<1x72x768xf32, #tpu.memory_space<vmem>>
    %dma_wait3A_554 = tpu.memref_squeeze %dma_wait3A_553 : memref<1x72x768xf32, #tpu.memory_space<vmem>> -> memref<72x768xf32, #tpu.memory_space<vmem>>
    %dma_wait3A_555 = arith.constant 0 : i32
    %dma_wait3A_556 = tpu.memref_slice %arg2[%mul3A_494, %dma_wait3A_555] : memref<147456x768xf32, #tpu.memory_space<hbm>> -> memref<72x768xf32, #tpu.memory_space<hbm>>
    tpu.wait_dma2 semaphore(%arg7 : memref<!tpu.dma_semaphore, #tpu.memory_space<semaphore_mem>>) src(%dma_wait3A_556 : memref<72x768xf32, #tpu.memory_space<hbm>>) dst(%dma_wait3A_554 : memref<72x768xf32, #tpu.memory_space<vmem>>)
    %dma_wait3A_557 = arith.constant 1 : i32
    %dma_wait3A_558 = arith.constant 0 : i32
    %dma_wait3A_559 = arith.constant 0 : i32
    %dma_wait3A_560 = tpu.memref_slice %arg6[%dma_wait3A_557, %dma_wait3A_558, %dma_wait3A_559] : memref<2x72x768xf32, #tpu.memory_space<vmem>> -> memref<1x72x768xf32, #tpu.memory_space<vmem>>
    %dma_wait3A_561 = tpu.memref_squeeze %dma_wait3A_560 : memref<1x72x768xf32, #tpu.memory_space<vmem>> -> memref<72x768xf32, #tpu.memory_space<vmem>>
    %dma_wait3A_562 = arith.constant 0 : i32
    %dma_wait3A_563 = tpu.memref_slice %arg2[%mul3A_530, %dma_wait3A_562] : memref<147456x768xf32, #tpu.memory_space<hbm>> -> memref<72x768xf32, #tpu.memory_space<hbm>>
    %dma_wait3A_564 = arith.constant 0 : i32
    %dma_wait3A_565 = arith.constant 0 : i32
    %dma_wait3A_566 = tpu.memref_slice %arg6[%dma_wait3A_557, %dma_wait3A_564, %dma_wait3A_565] : memref<2x72x768xf32, #tpu.memory_space<vmem>> -> memref<1x72x768xf32, #tpu.memory_space<vmem>>
    %dma_wait3A_567 = tpu.memref_squeeze %dma_wait3A_566 : memref<1x72x768xf32, #tpu.memory_space<vmem>> -> memref<72x768xf32, #tpu.memory_space<vmem>>
    %dma_wait3A_568 = arith.constant 0 : i32
    %dma_wait3A_569 = tpu.memref_slice %arg2[%mul3A_530, %dma_wait3A_568] : memref<147456x768xf32, #tpu.memory_space<hbm>> -> memref<72x768xf32, #tpu.memory_space<hbm>>
    tpu.wait_dma2 semaphore(%arg8 : memref<!tpu.dma_semaphore, #tpu.memory_space<semaphore_mem>>) src(%dma_wait3A_569 : memref<72x768xf32, #tpu.memory_space<hbm>>) dst(%dma_wait3A_567 : memref<72x768xf32, #tpu.memory_space<vmem>>)
    %mul3A_570 = arith.constant 72 : i32
    %mul3A_571 = arith.muli %add3A, %mul3A_570 : i32
    %dma_start3A_572 = arith.constant 0 : i32
    %dma_start3A_573 = arith.constant 0 : i32
    %dma_start3A_574 = arith.constant 0 : i32
    %dma_start3A_575 = tpu.memref_slice %arg6[%dma_start3A_572, %dma_start3A_573, %dma_start3A_574] : memref<2x72x768xf32, #tpu.memory_space<vmem>> -> memref<1x72x768xf32, #tpu.memory_space<vmem>>
    %dma_start3A_576 = tpu.memref_squeeze %dma_start3A_575 : memref<1x72x768xf32, #tpu.memory_space<vmem>> -> memref<72x768xf32, #tpu.memory_space<vmem>>
    %dma_start3A_577 = arith.constant 0 : i32
    %dma_start3A_578 = tpu.memref_slice %arg4[%mul3A_571, %dma_start3A_577] : memref<36864x768xf32, #tpu.memory_space<hbm>> -> memref<72x768xf32, #tpu.memory_space<hbm>>
    %dma_start3A_579 = arith.constant 0 : i32
    %dma_start3A_580 = tpu.memref_slice %arg4[%mul3A_571, %dma_start3A_579] : memref<36864x768xf32, #tpu.memory_space<hbm>> -> memref<72x768xf32, #tpu.memory_space<hbm>>
    %dma_start3A_581 = arith.constant 0 : i32
    %dma_start3A_582 = arith.constant 0 : i32
    %dma_start3A_583 = tpu.memref_slice %arg6[%dma_start3A_572, %dma_start3A_581, %dma_start3A_582] : memref<2x72x768xf32, #tpu.memory_space<vmem>> -> memref<1x72x768xf32, #tpu.memory_space<vmem>>
    %dma_start3A_584 = tpu.memref_squeeze %dma_start3A_583 : memref<1x72x768xf32, #tpu.memory_space<vmem>> -> memref<72x768xf32, #tpu.memory_space<vmem>>
    tpu.enqueue_dma source(%dma_start3A_584 : memref<72x768xf32, #tpu.memory_space<vmem>>) target(%dma_start3A_580 : memref<72x768xf32, #tpu.memory_space<hbm>>) target_semaphore(%arg9 : memref<!tpu.dma_semaphore, #tpu.memory_space<semaphore_mem>>)
    %dma_wait3A_585 = arith.constant 0 : i32
    %dma_wait3A_586 = arith.constant 0 : i32
    %dma_wait3A_587 = arith.constant 0 : i32
    %dma_wait3A_588 = tpu.memref_slice %arg6[%dma_wait3A_585, %dma_wait3A_586, %dma_wait3A_587] : memref<2x72x768xf32, #tpu.memory_space<vmem>> -> memref<1x72x768xf32, #tpu.memory_space<vmem>>
    %dma_wait3A_589 = tpu.memref_squeeze %dma_wait3A_588 : memref<1x72x768xf32, #tpu.memory_space<vmem>> -> memref<72x768xf32, #tpu.memory_space<vmem>>
    %dma_wait3A_590 = arith.constant 0 : i32
    %dma_wait3A_591 = tpu.memref_slice %arg4[%mul3A_571, %dma_wait3A_590] : memref<36864x768xf32, #tpu.memory_space<hbm>> -> memref<72x768xf32, #tpu.memory_space<hbm>>
    %dma_wait3A_592 = arith.constant 0 : i32
    %dma_wait3A_593 = tpu.memref_slice %arg4[%mul3A_571, %dma_wait3A_592] : memref<36864x768xf32, #tpu.memory_space<hbm>> -> memref<72x768xf32, #tpu.memory_space<hbm>>
    %dma_wait3A_594 = arith.constant 0 : i32
    %dma_wait3A_595 = arith.constant 0 : i32
    %dma_wait3A_596 = tpu.memref_slice %arg6[%dma_wait3A_585, %dma_wait3A_594, %dma_wait3A_595] : memref<2x72x768xf32, #tpu.memory_space<vmem>> -> memref<1x72x768xf32, #tpu.memory_space<vmem>>
    %dma_wait3A_597 = tpu.memref_squeeze %dma_wait3A_596 : memref<1x72x768xf32, #tpu.memory_space<vmem>> -> memref<72x768xf32, #tpu.memory_space<vmem>>
    tpu.wait_dma2 semaphore(%arg9 : memref<!tpu.dma_semaphore, #tpu.memory_space<semaphore_mem>>) src(%dma_wait3A_597 : memref<72x768xf32, #tpu.memory_space<vmem>>) dst(%dma_wait3A_593 : memref<72x768xf32, #tpu.memory_space<hbm>>)
    return
  }
}

</mosaic_0001>

<sc_bundles>
// kernel: kernel.3.cloned.1.call-start
scs
__scs_entry_jumppad:
0x0: {  	(pc) =	sbr.rel $0x88, $3  }
0x1: {  	(tag) =	ssettag $0x0;
	lr =	simm.s32 $0x1  }
0x2: {  	[smem:$0x3FA0] =	sst lr;
	_ =	strace $0xD0000000  }
0x3: {  	_ = 	snop  }
0x4: {  	_ = 	snop  }
0x5: {  	_ = 	snop  }
0x6: {  	_ = 	snop  }
0x7: {  	_ = 	snop  }
__scs_overlays_trampoline_lowered:
0x8: {  	[smem:$0x3FAF] =	sst s0  }
0x9: {  	[smem:$0x3FB0] =	sst s1  }
0xa: {  	[smem:$0x3FB1] =	sst s2  }
0xb: {  	[smem:$0x3FB2] =	sst s3  }
0xc: {  	[smem:$0x3FB3] =	sst s4  }
0xd: {  	[smem:$0x3FB4] =	sst s5  }
0xe: {  	[smem:$0x3FB5] =	sst s6  }
0xf: {  	[smem:$0x3FB6] =	sst s7  }
0x10: {  	[smem:$0x3FB7] =	sst s8  }
0x11: {  	[smem:$0x3FB8] =	sst s9;
	s0 =	simm.s32 @!p0 $0x0  }
0x12: {  	s1 =	sld [smem:$0x3F9E];
	s0 =	simm.s32 @p0 $0x1  }
0x13: {  	[smem:$0x3FB9] =	sst s0;
	s0 =	simm.s32 @!p1 $0x0  }
0x14: {  	s2 =	sld [smem:$0x3F9D];
	s0 =	simm.s32 @p1 $0x1  }
0x15: {  	[smem:$0x3FBA] =	sst s0;
	s0 =	simm.s32 @!p2 $0x0  }
0x16: {  	s3 =	sld [smem:$0x3FDB];
	s0 =	simm.s32 @p2 $0x1  }
0x17: {  	s4 =	simm.s32 $0x1BF5;
	[smem:$0x3FBC] =	sst s0  }
0x18: {  	s0 =	sld [smem:$0x3F9F];
	_ =	swait.ge [sflag:s4], $0x0  }
0x19: {  	s7 =	sld [smem:$0x3FA0]  }
0x1a: {  	s8 =	sadd.s32 $0xFFFFE003, lr  }
0x1b: {  	s9 =	sadd.s32 $0xFFFFFEF7, lr;
	s5 =	simm.s32 $0xFFFFFFFF;
	p2 =	slt.u32 s8, $0xFFFFF086  }
0x1c: {  	p1 =	slt.u32 s9, $0xF7A;
	s5 =	simm.s32 @!p2 $0x0  }
0x1d: {  	s5 =	simm.s32 @p1 $0x1;
	p0 =	seq.s32 s7, s2  }
0x1e: {  	s7 =	smul.u32 @!p0 $0xF7A, s2;
	p2 =	seq.s32 @!p0 s5, $0x0  }
0x1f: {  	s9 =	smul.u32 $0xF7A, s1;
	s8 =	simm.s32 @!p0 $0x1BF5;
	p2 =	por !p2, p0  }
0x20: {  	[sflag:s8] =	ssyncset.s32 @!p0 $0xFFFFF086;
	s6 =	sadd.s32 @!p0 s3, s7;
	s7 =	simm.s32 @!p0 $0x108  }
0x21: {  	s3 =	sadd.s32 s3, s9;
	s6 =	sadd.s32 @!p0 $0x88, s6;
	s7 =	simm.s32 @p2 $0x1082  }
0x22: {  	[simem:s7], [sflag:s8] =	dma.local @!p0 [hbm:s6], $0xF7A  }
0x23: {  	s9 =	sor.u32 $0xD0000000, s2;
	s6 =	simm.s32 $0x108;
	_ =	swait.ge @!p0 [sflag:s8], $0x0  }
0x24: {  	s3 =	sadd.s32 $0x88, s3;
	s6 =	simm.s32 @!p1 $0x1082;
	[sflag:s4] =	ssyncset.s32 $0xFFFFF086  }
0x25: {  	[simem:s6], [sflag:s4] =	dma.local [hbm:s3], $0xF7A  }
0x26: {  	[smem:$0x3FA0] =	sst s1;
	(tag) =	ssettag s2;
	_ =	strace s9  }
0x27: {  	s1 =	sld [smem:$0x3FB0]  }
0x28: {  	s2 =	sld [smem:$0x3FB1]  }
0x29: {  	s4 =	sld [smem:$0x3FB3]  }
0x2a: {  	p0 =	seq.s32 s5, $0x0;
	s5 =	sld [smem:$0x3FB4]  }
0x2b: {  	s6 =	sld [smem:$0x3FB5]  }
0x2c: {  	s7 =	sld [smem:$0x3FB6]  }
0x2d: {  	s3 =	simm.s32 $0x108;
	s8 =	sld [smem:$0x3FB7]  }
0x2e: {  	s3 =	simm.s32 @!p0 $0x1082;
	s9 =	sld [smem:$0x3FB8]  }
0x2f: {  	lr =	sadd.s32 s0, s3;
	s0 =	sld [smem:$0x3FAF]  }
0x30: {  	s3 =	sld [smem:$0x3FB2]  }
0x31: {  	[smem:$0x3FBB] =	sst s10  }
0x32: {  	s10 =	sld [smem:$0x3FB9];
	_ =	sdelay $0x3  }
0x33: {  	p0 =	seq.s32 s10, $0x1;
	s10 =	sld [smem:$0x3FBB];
	_ =	sdelay $0x3  }
0x34: {  	[smem:$0x3FBB] =	sst s10  }
0x35: {  	s10 =	sld [smem:$0x3FBA];
	_ =	sdelay $0x3  }
0x36: {  	p1 =	seq.s32 s10, $0x1;
	s10 =	sld [smem:$0x3FBB];
	_ =	sdelay $0x3  }
0x37: {  	[smem:$0x3FBB] =	sst s10  }
0x38: {  	s10 =	sld [smem:$0x3FBC]  }
0x39: {  	_ = 	snop;
	(pc) =	sbr.ind lr, $3  }
0x3a: {  	_ = 	snop  }
0x3b: {  	_ = 	snop  }
0x3c: {  	p2 =	seq.s32 s10, $0x1;
	s10 =	sld [smem:$0x3FBB]  }
0x3d: {  	_ =	shalt  }
0x3e: {  	_ =	shalt  }
0x3f: {  	_ =	shalt  }
0x40: {  	_ =	shalt  }
0x41: {  	_ =	shalt  }
0x42: {  	_ =	shalt  }
0x43: {  	_ =	shalt  }
0x44: {  	_ =	shalt  }
0x45: {  	_ =	shalt  }
0x46: {  	_ =	shalt  }
0x47: {  	_ =	shalt  }
0x48: {  	_ =	shalt  }
0x49: {  	_ =	shalt  }
0x4a: {  	_ =	shalt  }
0x4b: {  	_ =	shalt  }
0x4c: {  	_ =	shalt  }
0x4d: {  	_ =	shalt  }
0x4e: {  	_ =	shalt  }
0x4f: {  	_ =	shalt  }
0x50: {  	_ =	shalt  }
0x51: {  	_ =	shalt  }
0x52: {  	_ =	shalt  }
0x53: {  	_ =	shalt  }
0x54: {  	_ =	shalt  }
0x55: {  	_ =	shalt  }
0x56: {  	_ =	shalt  }
0x57: {  	_ =	shalt  }
0x58: {  	_ =	shalt  }
0x59: {  	_ =	shalt  }
0x5a: {  	_ =	shalt  }
0x5b: {  	_ =	shalt  }
0x5c: {  	_ =	shalt  }
0x5d: {  	_ =	shalt  }
0x5e: {  	_ =	shalt  }
0x5f: {  	_ =	shalt  }
0x60: {  	_ =	shalt  }
0x61: {  	_ =	shalt  }
0x62: {  	_ =	shalt  }
0x63: {  	_ =	shalt  }
0x64: {  	_ =	shalt  }
0x65: {  	_ =	shalt  }
0x66: {  	_ =	shalt  }
0x67: {  	_ =	shalt  }
0x68: {  	_ =	shalt  }
0x69: {  	_ =	shalt  }
0x6a: {  	_ =	shalt  }
0x6b: {  	_ =	shalt  }
0x6c: {  	_ =	shalt  }
0x6d: {  	_ =	shalt  }
0x6e: {  	_ =	shalt  }
0x6f: {  	_ =	shalt  }
0x70: {  	_ =	shalt  }
0x71: {  	_ =	shalt  }
0x72: {  	_ =	shalt  }
0x73: {  	_ =	shalt  }
0x74: {  	_ =	shalt  }
0x75: {  	_ =	shalt  }
0x76: {  	_ =	shalt  }
0x77: {  	_ =	shalt  }
0x78: {  	_ =	shalt  }
0x79: {  	_ =	shalt  }
0x7a: {  	_ =	shalt  }
0x7b: {  	_ =	shalt  }
0x7c: {  	_ =	shalt  }
0x7d: {  	_ =	shalt  }
0x7e: {  	_ =	shalt  }
0x7f: {  	_ =	shalt  }
0x80: {  	_ =	shalt  }
0x81: {  	_ =	shalt  }
0x82: {  	_ =	shalt  }
0x83: {  	_ =	shalt  }
0x84: {  	_ =	shalt  }
0x85: {  	_ =	shalt  }
0x86: {  	_ =	shalt  }
0x87: {  	_ =	shalt  }
.Lfunc_end0:
.L_simem_size_0:
called_computation_lowered:
.L_overlay_start_0:
0x88: {  	s2 =	sld [smem:$0x3FD9]  }
0x89: {  	s3 =	sld [smem:$0x3FFE];
	_ =	sdelay $0x1  }
0x8a: {  	s1 =	srdreg.scid  }
0x8b: {  	s0 =	sand.u32 $0x1, s1  }
0x8c: {  	s14 =	sshll.u32 s0, $0xA;
	s2 =	sadd.s32 s3, s2  }
0x8d: {  	s2 =	sadd.s32 s2, s14  }
0x8e: {  	[smem:$0x3FC7] =	sst s2  }
0x8f: {  	_ = 	snop  }
0x90: {  	s2 =	sld [smem:$0x3FD0];
	_ =	sdelay $0x2  }
0x91: {  	s4 =	simm.s32 $0xA;
	s5 =	simm.s32 $0x10;
	s15 =	sld [smem:$0x3FC9]  }
0x92: {  	[smem:s5], [sflag:s4] =	dma.local [hbm:s2], $0x1  }
0x93: {  	_ =	swait.eq [sflag:s4], $0x1  }
0x94: {  	[sflag:s4] =	ssyncset.done $0x0  }
0x95: {  	[sflag:s4] =	ssyncadd.s32 $0xFFFFFFFF  }
0x96: {  	s16 =	sld [smem:$0x10];
	(tm) =	ssettm $0x1  }
0x97: {  	s17 =	sld [smem:$0x3FFB];
	_ =	sdelay $0x3  }
0x98: {  	_ =	strace s17  }
0x99: {  	s4 =	sld [smem:$0x3FFC];
	_ =	sdelay $0x3  }
0x9a: {  	_ =	strace s4  }
0x9b: {  	s4 =	sld [smem:$0x3FFD];
	_ =	sdelay $0x3  }
0x9c: {  	_ =	strace s4  }
0x9d: {  	_ =	strace $0x8FFFFFFF  }
0x9e: {  	s18 =	sld [smem:$0x3FDB];
	_ =	sdelay $0x1  }
0x9f: {  	s19 =	simm.s32 $_scs_section_size  }
0xa0: {  	s6 =	simm.s32 $_size__tile_overlayer_lowered;
	s7 =	simm.s32 $_tile_overlayer_lowered  }
0xa1: {  	s22 =	simm.s32 $0x1BFF;
	s21 =	sshll.u32 s7, $0x1;
	s4 =	sadd.s32 s19, s18  }
0xa2: {  	s8 =	simm.s32 $0x0;
	s20 =	sshll.u32 s6, $0x1;
	s6 =	sadd.s32 s21, s4  }
0xa3: {  	[timem:s8], [sflag:s22] =	dma.local [hbm:s6], s20  }
0xa4: {  	_ =	swait.ge [sflag:s22], s20  }
0xa5: {  	s5 =	ssub.s32 $0x0, s20;
	[sflag:s22] =	ssyncset.done $0x0  }
0xa6: {  	[sflag:s22] =	ssyncadd.s32 s5;
	_ =	sdelay $0x1  }
0xa7: {  	s23 =	simm.s32 $0x1B8B  }
0xa8: {  	_ =	swait.ge [sflag:s23], $0x1  }
0xa9: {  	[sflag:s23] =	ssyncset.done $0x0  }
0xaa: {  	s25 =	simm.s32 $0x1B8E;
	s24 =	sld [smem:$0x3FFE];
	[sflag:s23] =	ssyncadd.s32 $0xFFFFFFFF  }
0xab: {  	s26 =	simm.s32 $execute0_lowered;
	[smem:$0x3FD2] =	sst s25  }
0xac: {  	s6 =	sshll.u32 s26, $0x1;
	_ =	strace $0x80000046;
	[dreg:$0x1] =	wrdreg $0xFFFFFFFF  }
0xad: {  	s28 =	simm.s32 $_size_execute0_lowered;
	s4 =	sadd.s32 s4, s6;
	[dreg:$0x0] =	wrdreg $0x0  }
0xae: {  	s6 =	sshll.u32 s28, $0x1;
	[dreg:$0x2] =	wrdreg s4  }
0xaf: {  	[dreg:$0x3] =	wrdreg s6  }
0xb0: {  	[dreg:$0x4] =	wrdreg $0xC0  }
0xb1: {  	_ =	task [dreg:s8], $0x5FFFF  }
0xb2: {  	[dreg:$0x1] =	wrdreg $0xFFFFFFFF  }
0xb3: {  	[dreg:$0x0] =	wrdreg $0x60  }
0xb4: {  	[dreg:$0x2] =	wrdreg s15  }
0xb5: {  	[dreg:$0x3] =	wrdreg s24  }
0xb6: {  	[dreg:$0x4] =	wrdreg s16  }
0xb7: {  	[dreg:$0x5] =	wrdreg $0x9  }
0xb8: {  	_ =	task.clear_ibuf [dreg:s8], $0x6FFFF;
	_ =	strace $0x90000046  }
0xb9: {  	s29 =	simm.s32 $0x9;
	_ =	strace $0x80000048  }
0xba: {  	_ =	swait.ge [sflag:s29], $0x1  }
0xbb: {  	[sflag:s29] =	ssyncadd.s32 $0xFFFFFFFF  }
0xbc: {  	_ =	strace $0x90000048  }
0xbd: {  	_ =	sfence  }
0xbe: {  	s30 =	sld [smem:$0x0];
	_ =	sdelay $0x2  }
0xbf: {  	s31 =	sshll.u32 s1, $0xD;
	s1 =	sshrl.u32 s1, $0x2  }
0xc0: {  	s3 =	sand.u32 $0x4000, s31;
	s1 =	sadd.s32 s1, s30  }
0xc1: {  	s0 =	sor.u32 s3, s0;
	s1 =	sshll.u32 s1, $0x11  }
0xc2: {  	s0 =	sor.u32 s1, s0  }
0xc3: {  	s0 =	sadd.s32 $0x8F2B, s0  }
0xc4: {  	[sflag:s0] =	ssyncadd.remote.s32 $0x1  }
0xc5: {  	_ =	sfence.sel $0xFFFF  }
0xc6: {  	[dreg:$0x0] =	wrdreg $0xFFFFFFFF;
	(pc) =	sbr.abs _section_cstart, $3  }
0xc7: {  	[dreg:$0x1] =	wrdreg $0xFFFFFFFF  }
0xc8: {  	_ =	task.clear_ibuf [dreg:s8], $0x2FFFF;
	_ =	strace $0x9FFFFFFF  }
0xc9: {  	(tm) =	ssettm $0x7FFFFFFF  }
tec
execute0_lowered:
.L_overlay_start_1:
0x0: {  	(tag) =	ssettag $0x1  }
0x1: {  	s24 =	rddreg [dreg:$0x0];
	s1 =	srdreg.scid  }
0x2: {  	s0 =	stileid.u32;
	s3 =	rddreg [dreg:$0x1]  }
0x3: {  	s25 =	rddreg [dreg:$0x2];
	s26 =	sand.u32 $0x1, s1;
	s23 =	sshll.u32 s0, $0x1  }
0x4: {  	s2 =	simm.s32 $0x0;
	s1 =	rddreg [dreg:$0x3];
	s28 =	sor.u32 s26, s23  }
0x5: {  	s7 =	simm.s32 $0x800;
	[smem:$0x7FF] =	sst s2;
	s4 =	sshll.u32 s28, $0x8  }
0x6: {  	_ =	strace $0x80000047;
	s29 =	smul.u32 $0xD8000, s28;
	s3 =	sadd.s32 s4, s3  }
0x7: {  	s5 =	smul.u32 $0x1B000, s28;
	s4 =	simm.s32 $0x4;
	s3 =	sadd.s32 $0x800, s3  }
0x8: {  	[tilespmem:s2], [sflag:$0x4] =	stream.linear.gather [hbm4b:s3+s2], $0x800, $0x38;
	[tilespmem:$0x1B800] =	vst v63  }
0x9: {  	s9 =	simm.s32 $0x1;
	s23 =	smul.u32 $0x480, s28;
	_ =	swait.ge [sflag:s4], $0x800  }
0xa: {  	s6 =	sshrl.u32 s29, $0x3;
	s5 =	sadd.s32 s24, s5;
	[sflag:s4] =	ssyncset.done $0x0  }
0xb: {  	s8 =	sshrl.u32 s23, $0x3;
	s6 =	sadd.s32 s24, s6;
	[sflag:s4] =	ssyncadd.s32 $0xFFFFF800  }
0xc: {  	[tilespmem:s7], [sflag:$0x1] =	stream.linear.gather [hbm4b:s5+s2], $0xD800, $0x38;
	[tilespmem:$0x1B800] =	vst v63  }
0xd: {  	s10 =	smul.u32 $0x300, s8;
	s8 =	simm.s32 $0xE000;
	s6 =	sadd.s32 $0x1B00, s6  }
0xe: {  	[tilespmem:s8], [sflag:$0x2] =	stream.linear.gather [hbm4b:s6+s2], $0xD800, $0x38;
	[tilespmem:$0x1B800] =	vst v63  }
0xf: {  	s11 =	sadd.s32 $0xD8, s23;
	_ =	swait.ge [sflag:s9], $0xD800  }
0x10: {  	s12 =	sshrl.u32 s11, $0x3;
	s29 =	sadd.s32 s24, s10;
	[sflag:s9] =	ssyncset.done $0x0  }
0x11: {  	s11 =	simm.s32 $0x2;
	s10 =	sadd.s32 $0x3600, s29;
	[sflag:s9] =	ssyncadd.s32 $0xFFFF2800  }
0x12: {  	[tilespmem:s7], [sflag:$0x1] =	stream.linear.gather [hbm4b:s10+s2], $0xD800, $0x38;
	[tilespmem:$0x1B800] =	vst v63  }
0x13: {  	s12 =	smul.u32 $0x300, s12;
	_ =	swait.ge [sflag:s11], $0xD800  }
0x14: {  	[sflag:s11] =	ssyncset.done $0x0  }
0x15: {  	s12 =	sadd.s32 s24, s12;
	[sflag:s11] =	ssyncadd.s32 $0xFFFF2800  }
0x16: {  	[tilespmem:s8], [sflag:$0x2] =	stream.linear.gather [hbm4b:s12+s2], $0xD800, $0x38;
	[tilespmem:$0x1B800] =	vst v63  }
0x17: {  	_ =	swait.ge [sflag:s9], $0xD800  }
0x18: {  	s14 =	sadd.s32 $0x168, s23;
	[sflag:s9] =	ssyncset.done $0x0  }
0x19: {  	s14 =	sshrl.u32 s14, $0x3;
	s13 =	sadd.s32 $0x6C00, s29;
	[sflag:s9] =	ssyncadd.s32 $0xFFFF2800  }
0x1a: {  	[tilespmem:s7], [sflag:$0x1] =	stream.linear.gather [hbm4b:s13+s2], $0xD800, $0x38;
	[tilespmem:$0x1B800] =	vst v63  }
0x1b: {  	s14 =	smul.u32 $0x300, s14;
	_ =	swait.ge [sflag:s11], $0xD800  }
0x1c: {  	[sflag:s11] =	ssyncset.done $0x0  }
0x1d: {  	s14 =	sadd.s32 s24, s14;
	[sflag:s11] =	ssyncadd.s32 $0xFFFF2800  }
0x1e: {  	[tilespmem:s8], [sflag:$0x2] =	stream.linear.gather [hbm4b:s14+s2], $0xD800, $0x38;
	[tilespmem:$0x1B800] =	vst v63  }
0x1f: {  	_ =	swait.ge [sflag:s9], $0xD800  }
0x20: {  	s16 =	sadd.s32 $0x1F8, s23;
	[sflag:s9] =	ssyncset.done $0x0  }
0x21: {  	s16 =	sshrl.u32 s16, $0x3;
	s15 =	sadd.s32 $0xA200, s29;
	[sflag:s9] =	ssyncadd.s32 $0xFFFF2800  }
0x22: {  	[tilespmem:s7], [sflag:$0x1] =	stream.linear.gather [hbm4b:s15+s2], $0xD800, $0x38;
	[tilespmem:$0x1B800] =	vst v63  }
0x23: {  	s16 =	smul.u32 $0x300, s16;
	_ =	swait.ge [sflag:s11], $0xD800  }
0x24: {  	[sflag:s11] =	ssyncset.done $0x0  }
0x25: {  	s16 =	sadd.s32 s24, s16;
	[sflag:s11] =	ssyncadd.s32 $0xFFFF2800  }
0x26: {  	[tilespmem:s8], [sflag:$0x2] =	stream.linear.gather [hbm4b:s16+s2], $0xD800, $0x38;
	[tilespmem:$0x1B800] =	vst v63  }
0x27: {  	_ =	swait.ge [sflag:s9], $0xD800  }
0x28: {  	s18 =	sadd.s32 $0x288, s23;
	[sflag:s9] =	ssyncset.done $0x0  }
0x29: {  	s18 =	sshrl.u32 s18, $0x3;
	s17 =	sadd.s32 $0xD800, s29;
	[sflag:s9] =	ssyncadd.s32 $0xFFFF2800  }
0x2a: {  	[tilespmem:s7], [sflag:$0x1] =	stream.linear.gather [hbm4b:s17+s2], $0xD800, $0x38;
	[tilespmem:$0x1B800] =	vst v63  }
0x2b: {  	s18 =	smul.u32 $0x300, s18;
	_ =	swait.ge [sflag:s11], $0xD800  }
0x2c: {  	[sflag:s11] =	ssyncset.done $0x0  }
0x2d: {  	s18 =	sadd.s32 s24, s18;
	[sflag:s11] =	ssyncadd.s32 $0xFFFF2800  }
0x2e: {  	[tilespmem:s8], [sflag:$0x2] =	stream.linear.gather [hbm4b:s18+s2], $0xD800, $0x38;
	[tilespmem:$0x1B800] =	vst v63  }
0x2f: {  	_ =	swait.ge [sflag:s9], $0xD800  }
0x30: {  	s19 =	sadd.s32 $0x318, s23;
	[sflag:s9] =	ssyncset.done $0x0  }
0x31: {  	s20 =	sshrl.u32 s19, $0x3;
	s19 =	sadd.s32 $0x10E00, s29;
	[sflag:s9] =	ssyncadd.s32 $0xFFFF2800  }
0x32: {  	[tilespmem:s7], [sflag:$0x1] =	stream.linear.gather [hbm4b:s19+s2], $0xD800, $0x38;
	[tilespmem:$0x1B800] =	vst v63  }
0x33: {  	s20 =	smul.u32 $0x300, s20;
	_ =	swait.ge [sflag:s11], $0xD800  }
0x34: {  	[sflag:s11] =	ssyncset.done $0x0  }
0x35: {  	s20 =	sadd.s32 s24, s20;
	[sflag:s11] =	ssyncadd.s32 $0xFFFF2800  }
0x36: {  	[tilespmem:s8], [sflag:$0x2] =	stream.linear.gather [hbm4b:s20+s2], $0xD800, $0x38;
	[tilespmem:$0x1B800] =	vst v63  }
0x37: {  	_ =	swait.ge [sflag:s9], $0xD800  }
0x38: {  	s21 =	sadd.s32 $0x3A8, s23;
	[sflag:s9] =	ssyncset.done $0x0  }
0x39: {  	s22 =	sshrl.u32 s21, $0x3;
	s21 =	sadd.s32 $0x14400, s29;
	[sflag:s9] =	ssyncadd.s32 $0xFFFF2800  }
0x3a: {  	[tilespmem:s7], [sflag:$0x1] =	stream.linear.gather [hbm4b:s21+s2], $0xD800, $0x38;
	[tilespmem:$0x1B800] =	vst v63  }
0x3b: {  	s22 =	smul.u32 $0x300, s22;
	_ =	swait.ge [sflag:s11], $0xD800  }
0x3c: {  	[sflag:s11] =	ssyncset.done $0x0  }
0x3d: {  	s22 =	sadd.s32 s24, s22;
	[sflag:s11] =	ssyncadd.s32 $0xFFFF2800  }
0x3e: {  	[tilespmem:s8], [sflag:$0x2] =	stream.linear.gather [hbm4b:s22+s2], $0xD800, $0x38;
	[tilespmem:$0x1B800] =	vst v63  }
0x3f: {  	_ =	swait.ge [sflag:s9], $0xD800  }
0x40: {  	s30 =	sadd.s32 $0x438, s23;
	[sflag:s9] =	ssyncset.done $0x0  }
0x41: {  	s30 =	sshrl.u32 s30, $0x3;
	s23 =	sadd.s32 $0x17A00, s29;
	[sflag:s9] =	ssyncadd.s32 $0xFFFF2800  }
0x42: {  	[tilespmem:s7], [sflag:$0x1] =	stream.linear.gather [hbm4b:s23+s2], $0xD800, $0x38;
	[tilespmem:$0x1B800] =	vst v63  }
0x43: {  	s29 =	smul.u32 $0x300, s30;
	_ =	swait.ge [sflag:s11], $0xD800  }
0x44: {  	[sflag:s11] =	ssyncset.done $0x0  }
0x45: {  	s26 =	ssub.s32 $0x2, s26;
	s24 =	sadd.s32 s24, s29;
	[sflag:s11] =	ssyncadd.s32 $0xFFFF2800  }
0x46: {  	[tilespmem:s8], [sflag:$0x2] =	stream.linear.gather [hbm4b:s24+s2], $0xD800, $0x38;
	[tilespmem:$0x1B800] =	vst v63  }
0x47: {  	s28 =	smul.u32 $0x1B00, s28;
	s31 =	sshrl.u32 s26, $0x1;
	_ =	swait.ge [sflag:s9], $0xD800  }
0x48: {  	s26 =	ssub.s32 s26, s31;
	[sflag:s9] =	ssyncset.done $0x0  }
0x49: {  	s25 =	sadd.s32 s25, s28;
	s28 =	smax.u32 s26, $0x1;
	[sflag:s9] =	ssyncadd.s32 $0xFFFF2800  }
0x4a: {  	p0 =	sne.s32 s28, $0x1;
	_ =	swait.ge [sflag:s11], $0xD800  }
.Ltmp0:
0x4b: {  	[sflag:s11] =	ssyncset.done $0x0;
	(pc) =	sbr.rel @!p0 .LBB2_2-.Ltmp0, $4  }
0x4c: {  	s26 =	simm.s32 $0x3;
	[sflag:s11] =	ssyncadd.s32 $0xFFFF2800  }
0x4d: {  	[hbm4b:s25+s2] =	stream.linear.scatter [tilespmem:s7], [sflag:$0x3], $0xD800, $0x38;
	[tilespmem:$0x1B800] =	vst v63  }
0x4e: {  	_ =	swait.ge [sflag:s26], $0xD800  }
0x4f: {  	s28 =	sadd.s32 $0xFFFFFFFF, s28;
	[sflag:s26] =	ssyncset.done $0x0  }
.LBB2_1:
0x50: {  	p0 =	sne.s32 s28, $0x1;
	s28 =	sadd.s32 $0xFFFFFFFF, s28;
	[sflag:s26] =	ssyncadd.s32 $0xFFFF2800  }
0x51: {  	[tilespmem:s2], [sflag:$0x4] =	stream.linear.gather [hbm4b:s3+s2], $0x800, $0x38;
	[tilespmem:$0x1B800] =	vst v63  }
0x52: {  	_ =	swait.ge [sflag:s4], $0x800  }
0x53: {  	[sflag:s4] =	ssyncset.done $0x0  }
0x54: {  	[sflag:s4] =	ssyncadd.s32 $0xFFFFF800  }
0x55: {  	[tilespmem:s7], [sflag:$0x1] =	stream.linear.gather [hbm4b:s5+s2], $0xD800, $0x38;
	[tilespmem:$0x1B800] =	vst v63  }
0x56: {  	_ = 	snop  }
0x57: {  	[tilespmem:s8], [sflag:$0x2] =	stream.linear.gather [hbm4b:s6+s2], $0xD800, $0x38;
	[tilespmem:$0x1B800] =	vst v63  }
0x58: {  	_ =	swait.ge [sflag:s9], $0xD800  }
0x59: {  	[sflag:s9] =	ssyncset.done $0x0  }
0x5a: {  	[sflag:s9] =	ssyncadd.s32 $0xFFFF2800  }
0x5b: {  	[tilespmem:s7], [sflag:$0x1] =	stream.linear.gather [hbm4b:s10+s2], $0xD800, $0x38;
	[tilespmem:$0x1B800] =	vst v63  }
0x5c: {  	_ =	swait.ge [sflag:s11], $0xD800  }
0x5d: {  	[sflag:s11] =	ssyncset.done $0x0  }
0x5e: {  	[sflag:s11] =	ssyncadd.s32 $0xFFFF2800  }
0x5f: {  	[tilespmem:s8], [sflag:$0x2] =	stream.linear.gather [hbm4b:s12+s2], $0xD800, $0x38;
	[tilespmem:$0x1B800] =	vst v63  }
0x60: {  	_ =	swait.ge [sflag:s9], $0xD800  }
0x61: {  	[sflag:s9] =	ssyncset.done $0x0  }
0x62: {  	[sflag:s9] =	ssyncadd.s32 $0xFFFF2800  }
0x63: {  	[tilespmem:s7], [sflag:$0x1] =	stream.linear.gather [hbm4b:s13+s2], $0xD800, $0x38;
	[tilespmem:$0x1B800] =	vst v63  }
0x64: {  	_ =	swait.ge [sflag:s11], $0xD800  }
0x65: {  	[sflag:s11] =	ssyncset.done $0x0  }
0x66: {  	[sflag:s11] =	ssyncadd.s32 $0xFFFF2800  }
0x67: {  	[tilespmem:s8], [sflag:$0x2] =	stream.linear.gather [hbm4b:s14+s2], $0xD800, $0x38;
	[tilespmem:$0x1B800] =	vst v63  }
0x68: {  	_ =	swait.ge [sflag:s9], $0xD800  }
0x69: {  	[sflag:s9] =	ssyncset.done $0x0  }
0x6a: {  	[sflag:s9] =	ssyncadd.s32 $0xFFFF2800  }
0x6b: {  	[tilespmem:s7], [sflag:$0x1] =	stream.linear.gather [hbm4b:s15+s2], $0xD800, $0x38;
	[tilespmem:$0x1B800] =	vst v63  }
0x6c: {  	_ =	swait.ge [sflag:s11], $0xD800  }
0x6d: {  	[sflag:s11] =	ssyncset.done $0x0  }
0x6e: {  	[sflag:s11] =	ssyncadd.s32 $0xFFFF2800  }
0x6f: {  	[tilespmem:s8], [sflag:$0x2] =	stream.linear.gather [hbm4b:s16+s2], $0xD800, $0x38;
	[tilespmem:$0x1B800] =	vst v63  }
0x70: {  	_ =	swait.ge [sflag:s9], $0xD800  }
0x71: {  	[sflag:s9] =	ssyncset.done $0x0  }
0x72: {  	[sflag:s9] =	ssyncadd.s32 $0xFFFF2800  }
0x73: {  	[tilespmem:s7], [sflag:$0x1] =	stream.linear.gather [hbm4b:s17+s2], $0xD800, $0x38;
	[tilespmem:$0x1B800] =	vst v63  }
0x74: {  	_ =	swait.ge [sflag:s11], $0xD800  }
0x75: {  	[sflag:s11] =	ssyncset.done $0x0  }
0x76: {  	[sflag:s11] =	ssyncadd.s32 $0xFFFF2800  }
0x77: {  	[tilespmem:s8], [sflag:$0x2] =	stream.linear.gather [hbm4b:s18+s2], $0xD800, $0x38;
	[tilespmem:$0x1B800] =	vst v63  }
0x78: {  	_ =	swait.ge [sflag:s9], $0xD800  }
0x79: {  	[sflag:s9] =	ssyncset.done $0x0  }
0x7a: {  	[sflag:s9] =	ssyncadd.s32 $0xFFFF2800  }
0x7b: {  	[tilespmem:s7], [sflag:$0x1] =	stream.linear.gather [hbm4b:s19+s2], $0xD800, $0x38;
	[tilespmem:$0x1B800] =	vst v63  }
0x7c: {  	_ =	swait.ge [sflag:s11], $0xD800  }
0x7d: {  	[sflag:s11] =	ssyncset.done $0x0  }
0x7e: {  	[sflag:s11] =	ssyncadd.s32 $0xFFFF2800  }
0x7f: {  	[tilespmem:s8], [sflag:$0x2] =	stream.linear.gather [hbm4b:s20+s2], $0xD800, $0x38;
	[tilespmem:$0x1B800] =	vst v63  }
0x80: {  	_ =	swait.ge [sflag:s9], $0xD800  }
0x81: {  	[sflag:s9] =	ssyncset.done $0x0  }
0x82: {  	[sflag:s9] =	ssyncadd.s32 $0xFFFF2800  }
0x83: {  	[tilespmem:s7], [sflag:$0x1] =	stream.linear.gather [hbm4b:s21+s2], $0xD800, $0x38;
	[tilespmem:$0x1B800] =	vst v63  }
0x84: {  	_ =	swait.ge [sflag:s11], $0xD800  }
0x85: {  	[sflag:s11] =	ssyncset.done $0x0  }
0x86: {  	[sflag:s11] =	ssyncadd.s32 $0xFFFF2800  }
0x87: {  	[tilespmem:s8], [sflag:$0x2] =	stream.linear.gather [hbm4b:s22+s2], $0xD800, $0x38;
	[tilespmem:$0x1B800] =	vst v63  }
0x88: {  	_ =	swait.ge [sflag:s9], $0xD800  }
0x89: {  	[sflag:s9] =	ssyncset.done $0x0  }
0x8a: {  	[sflag:s9] =	ssyncadd.s32 $0xFFFF2800  }
0x8b: {  	[tilespmem:s7], [sflag:$0x1] =	stream.linear.gather [hbm4b:s23+s2], $0xD800, $0x38;
	[tilespmem:$0x1B800] =	vst v63  }
0x8c: {  	_ =	swait.ge [sflag:s11], $0xD800  }
0x8d: {  	[sflag:s11] =	ssyncset.done $0x0  }
0x8e: {  	[sflag:s11] =	ssyncadd.s32 $0xFFFF2800  }
0x8f: {  	[tilespmem:s8], [sflag:$0x2] =	stream.linear.gather [hbm4b:s24+s2], $0xD800, $0x38;
	[tilespmem:$0x1B800] =	vst v63  }
0x90: {  	_ =	swait.ge [sflag:s9], $0xD800  }
0x91: {  	[sflag:s9] =	ssyncset.done $0x0  }
0x92: {  	[sflag:s9] =	ssyncadd.s32 $0xFFFF2800  }
0x93: {  	_ =	swait.ge [sflag:s11], $0xD800  }
.Ltmp1:
0x94: {  	[sflag:s11] =	ssyncset.done $0x0;
	(pc) =	sbr.rel @p0 .LBB2_1-.Ltmp1, $4  }
0x95: {  	[sflag:s11] =	ssyncadd.s32 $0xFFFF2800  }
0x96: {  	[hbm4b:s25+s2] =	stream.linear.scatter [tilespmem:s7], [sflag:$0x3], $0xD800, $0x38;
	[tilespmem:$0x1B800] =	vst v63  }
0x97: {  	_ =	swait.ge [sflag:s26], $0xD800  }
0x98: {  	[sflag:s26] =	ssyncset.done $0x0  }
.LBB2_2:
0x99: {  	[sflag:s26] =	ssyncadd.s32 $0xFFFF2800  }
0x9a: {  	_ =	sfence.sel $0x180000  }
0x9b: {  	[bflag:$0x0] =	sbarrier.arrive $0xFFFF  }
0x9c: {  	p0 =	sne.s32 s0, $0x0;
	_ =	strace $0x90000047  }
0x9d: {  	s0 =	sadd.s32 @!p0 $0x100000, s1;
	[bflag:$0x2] =	sbarrier.arrive $0xFFFF  }
0x9e: {  	[sflag:s0] =	ssyncadd.tile.s32 @!p0 $0x1;
	_ =	shalt  }
.Lfunc_end2:
_tile_overlayer_lowered:
.L_overlay_start_2:
0x9f: {  	(tag) =	ssettag $0x2  }
0xa0: {  	s0 =	rddreg [dreg:$0x0];
	s2 =	stileid.u32  }
0xa1: {  	s1 =	rddreg [dreg:$0x1];
	p0 =	sne.s32 s2, $0x0  }
0xa2: {  	s3 =	rddreg [dreg:$0x2];
	[bflag:$0x3] =	sbarrier.arrive $0xFFFF;
	s2 =	simm.s32 @!p0 $0x1C04  }
0xa3: {  	[timem:s3], [sflag:s2] =	dma.local @!p0 [hbm:s0], s1  }
0xa4: {  	s0 =	simm.s32 @!p0 $0x4  }
0xa5: {  	_ =	swait.ge @!p0 [sflag:s0], s1  }
0xa6: {  	s1 =	ssub.s32 @!p0 $0x0, s1;
	[sflag:s0] =	ssyncset.done @!p0 $0x0  }
0xa7: {  	[sflag:s0] =	ssyncadd.s32 @!p0 s1  }
0xa8: {  	[bflag:$0x3] =	sbarrier.arrive $0xFFFF  }
0xa9: {  	_ =	shalt  }

</sc_bundles>
